<compile_context>
chip_gen: v7x
topology: tpu7x:2x2x1
jax: 0.10.2.dev20260603
libtpu: 0.0.44.dev20260713+nightly
codegen_flags: <defaults>
</compile_context>

<pallas_src>
import jax
import jax.numpy as jnp
from jax import lax
from jax.experimental import pallas as pl
from jax.experimental.pallas import tpu as pltpu
from jax.experimental.pallas import tpu_sc as plsc

B = 4096
H = 200
D = 64
NC = 2
NS = 16
NW = NC * NS
BPW = B // NW
C0, C1 = 128, 72
LANES = 16
NG = D // LANES
RU = 4
NBUF = 4


def _make_pool_body(bpw):
    idxw = bpw * H

    def _pool_body(x_hbm, table_hbm, out_hbm, idx_v, buf_v, out_v,
                   sem0, sem1, sem2, sem3):
        wid = lax.axis_index("s") * NC + lax.axis_index("c")
        base_b = wid * bpw
        pltpu.sync_copy(x_hbm.at[pl.ds(base_b * H, idxw)], idx_v)

        sems = (sem0, sem1, sem2, sem3)

        def issue(b, slot):
            off = b * H
            pltpu.async_copy(table_hbm.at[idx_v.at[pl.ds(off, C0)]],
                             buf_v.at[slot, pl.ds(0, C0)], sems[slot])
            pltpu.async_copy(table_hbm.at[idx_v.at[pl.ds(off + C0, C1)]],
                             buf_v.at[slot, pl.ds(C0, C1)], sems[slot])

        for k in range(NBUF):
            issue(k, k)

        def outer(bb, carry):
            for k in range(NBUF):
                b = bb * NBUF + k
                pltpu.make_async_copy(table_hbm.at[pl.ds(0, H)],
                                      buf_v.at[k], sems[k]).wait()
                bk = buf_v.at[k]

                def acc_step(r, accs):
                    new = list(accs)
                    for u in range(RU):
                        for g in range(NG):
                            new[g] = new[g] + bk[r * RU + u,
                                                 pl.ds(g * LANES, LANES)]
                    return tuple(new)

                z = jnp.zeros((LANES,), jnp.float32)
                accs = lax.fori_loop(0, H // RU, acc_step, (z,) * NG)
                for g in range(NG):
                    out_v[b, pl.ds(g * LANES, LANES)] = accs[g]

                @pl.when(b + NBUF < bpw)
                def _():
                    issue(b + NBUF, k)
            return carry

        lax.fori_loop(0, bpw // NBUF, outer, 0)
        pltpu.sync_copy(out_v, out_hbm.at[pl.ds(base_b, bpw)])

    return _pool_body


def _pool(x_flat, table, nb):
    bpw = nb // NW
    mesh = plsc.VectorSubcoreMesh(core_axis_name="c", subcore_axis_name="s",
                                  num_cores=NC, num_subcores=NS)
    return pl.kernel(
        _make_pool_body(bpw),
        out_type=jax.ShapeDtypeStruct((nb, D), jnp.float32),
        mesh=mesh,
        scratch_types=[
            pltpu.VMEM((bpw * H,), jnp.int32),
            pltpu.VMEM((NBUF, H, D), jnp.float32),
            pltpu.VMEM((bpw, D), jnp.float32),
            pltpu.SemaphoreType.DMA,
            pltpu.SemaphoreType.DMA,
            pltpu.SemaphoreType.DMA,
            pltpu.SemaphoreType.DMA,
        ],
        compiler_params=pltpu.CompilerParams(use_tc_tiling_on_sc=False),
    )(x_flat, table)


def _mlp_body(x_ref, w1_ref, b1_ref, w2_ref, b2_ref, o_ref):
    h = lax.dot_general(x_ref[...], w1_ref[...], (((1,), (1,)), ((), ())),
                        preferred_element_type=jnp.float32)
    h = jnp.maximum(h + b1_ref[...], 0.0)
    o = lax.dot_general(h, w2_ref[...], (((1,), (1,)), ((), ())),
                        preferred_element_type=jnp.float32)
    o_ref[...] = o + b2_ref[...]


def _mlp(pooled, W1, b1, W2, b2):
    return pl.pallas_call(
        _mlp_body,
        out_shape=jax.ShapeDtypeStruct(pooled.shape, jnp.float32),
    )(pooled, W1, b1.reshape(1, D), W2, b2.reshape(1, D))


def kernel(x, table, W1, b1, W2, b2):
    x_flat = x.reshape(-1).astype(jnp.int32)
    pooled = _pool(x_flat, table, B)
    out = _mlp(pooled, W1, b1, W2, b2)
    return out[None, :, :]

# --- scband reference (transcript-rebuilt; emitter-appended) ---
"""Pipeline reference for scband-bag-of-words-4561255268943 (READ-ONLY COPY).

The authoritative reference and input builder live on the scoring server;
editing this copy changes nothing except your own understanding.
"""

import jax, jax.numpy as jnp
import numpy as np

VOCAB = 1000000
DIM = 64
BATCH = 4096
HIST = 200
PAD_IDX = 0


def _xavier(key, shape):
    fan_in, fan_out = shape[1], shape[0]
    limit = float(np.sqrt(6.0 / (fan_in + fan_out)))
    return jax.random.uniform(key, shape, dtype=jnp.float32, minval=-limit, maxval=limit)


def setup_inputs(seed: int = 0) -> dict:
    key = jax.random.key(seed)
    k1, k2, k3, k4 = jax.random.split(key, 4)
    x = jax.random.randint(k1, (BATCH, HIST), 0, VOCAB, dtype=jnp.int64) if jax.config.jax_enable_x64 else jax.random.randint(k1, (BATCH, HIST), 0, VOCAB, dtype=jnp.int32)
    table = jax.random.normal(k2, (VOCAB, DIM), dtype=jnp.float32)
    table = table.at[PAD_IDX].set(0.0)  # padding_idx row is zero
    W1 = _xavier(k3, (DIM, DIM))
    b1 = jnp.zeros((DIM,), dtype=jnp.float32)
    W2 = _xavier(k4, (DIM, DIM))
    b2 = jnp.zeros((DIM,), dtype=jnp.float32)
    return {"x": x, "table": table, "W1": W1, "b1": b1, "W2": W2, "b2": b2}


def reference(x, table, W1, b1, W2, b2):
    # nn.Embedding lookup (padding row is zero)
    postemb = jnp.take(table, x, axis=0)          # [B, L, D]
    # reduce == 'sum'
    postemb = postemb.sum(axis=1)                 # [B, D]
    # Linear -> ReLU -> Dropout(identity, eval) -> Linear
    h = postemb @ W1.T + b1
    h = jnp.maximum(h, 0.0)
    out = h @ W2.T + b2
    # forward returns (None, x.unsqueeze(0)); we return the tensor part
    return out[None, :, :]                        # [1, B, D]

if __name__ == "__main__":
    import jax
    _d = setup_inputs()
    print(jax.jit(kernel)(*tuple(_d.values())))

</pallas_src>

<mosaic_0001>
#map = affine_map<(d0, d1) -> (0)>
#map1 = affine_map<(d0, d1) -> (0, 0)>
module attributes {stable_mosaic.version = 14 : i64} {
  func.func @_pool_body(%arg0: i32, %arg1: i32, %arg2: memref<819200xi32, #tpu.memory_space<hbm>>, %arg3: memref<1000000x64xf32, #tpu.memory_space<hbm>>, %arg4: memref<4096x64xf32, #tpu.memory_space<hbm>>, %arg5: memref<25600xi32, #tpu.memory_space<vmem>>, %arg6: memref<4x200x64xf32, #tpu.memory_space<vmem>>, %arg7: memref<128x64xf32, #tpu.memory_space<vmem>>, %arg8: memref<!tpu.dma_semaphore, #tpu.memory_space<semaphore_mem>>, %arg9: memref<!tpu.dma_semaphore, #tpu.memory_space<semaphore_mem>>, %arg10: memref<!tpu.dma_semaphore, #tpu.memory_space<semaphore_mem>>, %arg11: memref<!tpu.dma_semaphore, #tpu.memory_space<semaphore_mem>>) attributes {dimension_semantics = [#tpu.dimension_semantics<core_parallel>, #tpu.dimension_semantics<subcore_parallel>], iteration_bounds = array<i64: 2, 16>, scalar_prefetch = 0 : i64, scratch_operands = 7 : i64, tpu.core_type = #tpu.core_type<sc_vector_subcore>, window_params = [{transform_indices = #map}, {transform_indices = #map1}, {transform_indices = #map1}]} {
    %mul3A = arith.constant 2 : i32
    %mul3A_0 = arith.muli %arg1, %mul3A : i32
    %add3A = arith.addi %mul3A_0, %arg0 : i32
    %mul3A_1 = arith.constant 128 : i32
    %mul3A_2 = arith.muli %add3A, %mul3A_1 : i32
    %mul3A_3 = arith.constant 200 : i32
    %mul3A_4 = arith.muli %mul3A_2, %mul3A_3 : i32
    "tpu.region"() ({
      %run_scoped3A = tpu.sem_alloc : memref<!tpu.dma_semaphore, #tpu.memory_space<semaphore_mem>>
      %dma_start3A_89 = tpu.memref_slice %arg2[%mul3A_4] : memref<819200xi32, #tpu.memory_space<hbm>> -> memref<25600xi32, #tpu.memory_space<hbm>>
      %dma_start3A_90 = tpu.memref_slice %arg2[%mul3A_4] : memref<819200xi32, #tpu.memory_space<hbm>> -> memref<25600xi32, #tpu.memory_space<hbm>>
      tpu.enqueue_dma source(%dma_start3A_90 : memref<25600xi32, #tpu.memory_space<hbm>>) target(%arg5 : memref<25600xi32, #tpu.memory_space<vmem>>) target_semaphore(%run_scoped3A : memref<!tpu.dma_semaphore, #tpu.memory_space<semaphore_mem>>)
      %dma_wait3A = tpu.memref_slice %arg2[%mul3A_4] : memref<819200xi32, #tpu.memory_space<hbm>> -> memref<25600xi32, #tpu.memory_space<hbm>>
      %dma_wait3A_91 = tpu.memref_slice %arg2[%mul3A_4] : memref<819200xi32, #tpu.memory_space<hbm>> -> memref<25600xi32, #tpu.memory_space<hbm>>
      tpu.wait_dma2 semaphore(%run_scoped3A : memref<!tpu.dma_semaphore, #tpu.memory_space<semaphore_mem>>) src(%dma_wait3A_91 : memref<25600xi32, #tpu.memory_space<hbm>>) dst(%arg5 : memref<25600xi32, #tpu.memory_space<vmem>>)
      tpu.yield
    }) : () -> ()
    %dma_start3A = arith.constant 0 : i32
    %dma_start3A_5 = arith.constant 0 : i32
    %dma_start3A_6 = arith.constant 0 : i32
    %dma_start3A_7 = tpu.memref_slice %arg6[%dma_start3A, %dma_start3A_5, %dma_start3A_6] : memref<4x200x64xf32, #tpu.memory_space<vmem>> -> memref<1x128x64xf32, #tpu.memory_space<vmem>>
    %dma_start3A_8 = tpu.memref_squeeze %dma_start3A_7 : memref<1x128x64xf32, #tpu.memory_space<vmem>> -> memref<128x64xf32, #tpu.memory_space<vmem>>
    %dma_start3A_9 = arith.constant 0 : i32
    %dma_start3A_10 = tpu.memref_slice %arg5[%dma_start3A_9] : memref<25600xi32, #tpu.memory_space<vmem>> -> memref<128xi32, #tpu.memory_space<vmem>>
    %dma_start3A_11 = arith.constant 0 : i32
    %dma_start3A_12 = arith.constant 0 : i32
    %dma_start3A_13 = tpu.memref_slice %arg3[%dma_start3A_11, %dma_start3A_12] : memref<1000000x64xf32, #tpu.memory_space<hbm>> -> memref<1000000x64xf32, #tpu.memory_space<hbm>>
    tpu.enqueue_indirect_dma source(%dma_start3A_13 : memref<1000000x64xf32, #tpu.memory_space<hbm>>) target(%dma_start3A_8 : memref<128x64xf32, #tpu.memory_space<vmem>>) offsets(%dma_start3A_10 : memref<128xi32, #tpu.memory_space<vmem>>) semaphore(%arg8 : memref<!tpu.dma_semaphore, #tpu.memory_space<semaphore_mem>>)
    %dma_start3A_14 = arith.constant 0 : i32
    %dma_start3A_15 = arith.constant 128 : i32
    %dma_start3A_16 = arith.constant 0 : i32
    %dma_start3A_17 = tpu.memref_slice %arg6[%dma_start3A_14, %dma_start3A_15, %dma_start3A_16] : memref<4x200x64xf32, #tpu.memory_space<vmem>> -> memref<1x72x64xf32, #tpu.memory_space<vmem>>
    %dma_start3A_18 = tpu.memref_squeeze %dma_start3A_17 : memref<1x72x64xf32, #tpu.memory_space<vmem>> -> memref<72x64xf32, #tpu.memory_space<vmem>>
    %dma_start3A_19 = arith.constant 128 : i32
    %dma_start3A_20 = tpu.memref_slice %arg5[%dma_start3A_19] : memref<25600xi32, #tpu.memory_space<vmem>> -> memref<72xi32, #tpu.memory_space<vmem>>
    %dma_start3A_21 = arith.constant 0 : i32
    %dma_start3A_22 = arith.constant 0 : i32
    %dma_start3A_23 = tpu.memref_slice %arg3[%dma_start3A_21, %dma_start3A_22] : memref<1000000x64xf32, #tpu.memory_space<hbm>> -> memref<1000000x64xf32, #tpu.memory_space<hbm>>
    tpu.enqueue_indirect_dma source(%dma_start3A_23 : memref<1000000x64xf32, #tpu.memory_space<hbm>>) target(%dma_start3A_18 : memref<72x64xf32, #tpu.memory_space<vmem>>) offsets(%dma_start3A_20 : memref<72xi32, #tpu.memory_space<vmem>>) semaphore(%arg8 : memref<!tpu.dma_semaphore, #tpu.memory_space<semaphore_mem>>)
    %dma_start3A_24 = arith.constant 1 : i32
    %dma_start3A_25 = arith.constant 0 : i32
    %dma_start3A_26 = arith.constant 0 : i32
    %dma_start3A_27 = tpu.memref_slice %arg6[%dma_start3A_24, %dma_start3A_25, %dma_start3A_26] : memref<4x200x64xf32, #tpu.memory_space<vmem>> -> memref<1x128x64xf32, #tpu.memory_space<vmem>>
    %dma_start3A_28 = tpu.memref_squeeze %dma_start3A_27 : memref<1x128x64xf32, #tpu.memory_space<vmem>> -> memref<128x64xf32, #tpu.memory_space<vmem>>
    %dma_start3A_29 = arith.constant 200 : i32
    %dma_start3A_30 = tpu.memref_slice %arg5[%dma_start3A_29] : memref<25600xi32, #tpu.memory_space<vmem>> -> memref<128xi32, #tpu.memory_space<vmem>>
    %dma_start3A_31 = arith.constant 0 : i32
    %dma_start3A_32 = arith.constant 0 : i32
    %dma_start3A_33 = tpu.memref_slice %arg3[%dma_start3A_31, %dma_start3A_32] : memref<1000000x64xf32, #tpu.memory_space<hbm>> -> memref<1000000x64xf32, #tpu.memory_space<hbm>>
    tpu.enqueue_indirect_dma source(%dma_start3A_33 : memref<1000000x64xf32, #tpu.memory_space<hbm>>) target(%dma_start3A_28 : memref<128x64xf32, #tpu.memory_space<vmem>>) offsets(%dma_start3A_30 : memref<128xi32, #tpu.memory_space<vmem>>) semaphore(%arg9 : memref<!tpu.dma_semaphore, #tpu.memory_space<semaphore_mem>>)
    %dma_start3A_34 = arith.constant 1 : i32
    %dma_start3A_35 = arith.constant 128 : i32
    %dma_start3A_36 = arith.constant 0 : i32
    %dma_start3A_37 = tpu.memref_slice %arg6[%dma_start3A_34, %dma_start3A_35, %dma_start3A_36] : memref<4x200x64xf32, #tpu.memory_space<vmem>> -> memref<1x72x64xf32, #tpu.memory_space<vmem>>
    %dma_start3A_38 = tpu.memref_squeeze %dma_start3A_37 : memref<1x72x64xf32, #tpu.memory_space<vmem>> -> memref<72x64xf32, #tpu.memory_space<vmem>>
    %dma_start3A_39 = arith.constant 328 : i32
    %dma_start3A_40 = tpu.memref_slice %arg5[%dma_start3A_39] : memref<25600xi32, #tpu.memory_space<vmem>> -> memref<72xi32, #tpu.memory_space<vmem>>
    %dma_start3A_41 = arith.constant 0 : i32
    %dma_start3A_42 = arith.constant 0 : i32
    %dma_start3A_43 = tpu.memref_slice %arg3[%dma_start3A_41, %dma_start3A_42] : memref<1000000x64xf32, #tpu.memory_space<hbm>> -> memref<1000000x64xf32, #tpu.memory_space<hbm>>
    tpu.enqueue_indirect_dma source(%dma_start3A_43 : memref<1000000x64xf32, #tpu.memory_space<hbm>>) target(%dma_start3A_38 : memref<72x64xf32, #tpu.memory_space<vmem>>) offsets(%dma_start3A_40 : memref<72xi32, #tpu.memory_space<vmem>>) semaphore(%arg9 : memref<!tpu.dma_semaphore, #tpu.memory_space<semaphore_mem>>)
    %dma_start3A_44 = arith.constant 2 : i32
    %dma_start3A_45 = arith.constant 0 : i32
    %dma_start3A_46 = arith.constant 0 : i32
    %dma_start3A_47 = tpu.memref_slice %arg6[%dma_start3A_44, %dma_start3A_45, %dma_start3A_46] : memref<4x200x64xf32, #tpu.memory_space<vmem>> -> memref<1x128x64xf32, #tpu.memory_space<vmem>>
    %dma_start3A_48 = tpu.memref_squeeze %dma_start3A_47 : memref<1x128x64xf32, #tpu.memory_space<vmem>> -> memref<128x64xf32, #tpu.memory_space<vmem>>
    %dma_start3A_49 = arith.constant 400 : i32
    %dma_start3A_50 = tpu.memref_slice %arg5[%dma_start3A_49] : memref<25600xi32, #tpu.memory_space<vmem>> -> memref<128xi32, #tpu.memory_space<vmem>>
    %dma_start3A_51 = arith.constant 0 : i32
    %dma_start3A_52 = arith.constant 0 : i32
    %dma_start3A_53 = tpu.memref_slice %arg3[%dma_start3A_51, %dma_start3A_52] : memref<1000000x64xf32, #tpu.memory_space<hbm>> -> memref<1000000x64xf32, #tpu.memory_space<hbm>>
    tpu.enqueue_indirect_dma source(%dma_start3A_53 : memref<1000000x64xf32, #tpu.memory_space<hbm>>) target(%dma_start3A_48 : memref<128x64xf32, #tpu.memory_space<vmem>>) offsets(%dma_start3A_50 : memref<128xi32, #tpu.memory_space<vmem>>) semaphore(%arg10 : memref<!tpu.dma_semaphore, #tpu.memory_space<semaphore_mem>>)
    %dma_start3A_54 = arith.constant 2 : i32
    %dma_start3A_55 = arith.constant 128 : i32
    %dma_start3A_56 = arith.constant 0 : i32
    %dma_start3A_57 = tpu.memref_slice %arg6[%dma_start3A_54, %dma_start3A_55, %dma_start3A_56] : memref<4x200x64xf32, #tpu.memory_space<vmem>> -> memref<1x72x64xf32, #tpu.memory_space<vmem>>
    %dma_start3A_58 = tpu.memref_squeeze %dma_start3A_57 : memref<1x72x64xf32, #tpu.memory_space<vmem>> -> memref<72x64xf32, #tpu.memory_space<vmem>>
    %dma_start3A_59 = arith.constant 528 : i32
    %dma_start3A_60 = tpu.memref_slice %arg5[%dma_start3A_59] : memref<25600xi32, #tpu.memory_space<vmem>> -> memref<72xi32, #tpu.memory_space<vmem>>
    %dma_start3A_61 = arith.constant 0 : i32
    %dma_start3A_62 = arith.constant 0 : i32
    %dma_start3A_63 = tpu.memref_slice %arg3[%dma_start3A_61, %dma_start3A_62] : memref<1000000x64xf32, #tpu.memory_space<hbm>> -> memref<1000000x64xf32, #tpu.memory_space<hbm>>
    tpu.enqueue_indirect_dma source(%dma_start3A_63 : memref<1000000x64xf32, #tpu.memory_space<hbm>>) target(%dma_start3A_58 : memref<72x64xf32, #tpu.memory_space<vmem>>) offsets(%dma_start3A_60 : memref<72xi32, #tpu.memory_space<vmem>>) semaphore(%arg10 : memref<!tpu.dma_semaphore, #tpu.memory_space<semaphore_mem>>)
    %dma_start3A_64 = arith.constant 3 : i32
    %dma_start3A_65 = arith.constant 0 : i32
    %dma_start3A_66 = arith.constant 0 : i32
    %dma_start3A_67 = tpu.memref_slice %arg6[%dma_start3A_64, %dma_start3A_65, %dma_start3A_66] : memref<4x200x64xf32, #tpu.memory_space<vmem>> -> memref<1x128x64xf32, #tpu.memory_space<vmem>>
    %dma_start3A_68 = tpu.memref_squeeze %dma_start3A_67 : memref<1x128x64xf32, #tpu.memory_space<vmem>> -> memref<128x64xf32, #tpu.memory_space<vmem>>
    %dma_start3A_69 = arith.constant 600 : i32
    %dma_start3A_70 = tpu.memref_slice %arg5[%dma_start3A_69] : memref<25600xi32, #tpu.memory_space<vmem>> -> memref<128xi32, #tpu.memory_space<vmem>>
    %dma_start3A_71 = arith.constant 0 : i32
    %dma_start3A_72 = arith.constant 0 : i32
    %dma_start3A_73 = tpu.memref_slice %arg3[%dma_start3A_71, %dma_start3A_72] : memref<1000000x64xf32, #tpu.memory_space<hbm>> -> memref<1000000x64xf32, #tpu.memory_space<hbm>>
    tpu.enqueue_indirect_dma source(%dma_start3A_73 : memref<1000000x64xf32, #tpu.memory_space<hbm>>) target(%dma_start3A_68 : memref<128x64xf32, #tpu.memory_space<vmem>>) offsets(%dma_start3A_70 : memref<128xi32, #tpu.memory_space<vmem>>) semaphore(%arg11 : memref<!tpu.dma_semaphore, #tpu.memory_space<semaphore_mem>>)
    %dma_start3A_74 = arith.constant 3 : i32
    %dma_start3A_75 = arith.constant 128 : i32
    %dma_start3A_76 = arith.constant 0 : i32
    %dma_start3A_77 = tpu.memref_slice %arg6[%dma_start3A_74, %dma_start3A_75, %dma_start3A_76] : memref<4x200x64xf32, #tpu.memory_space<vmem>> -> memref<1x72x64xf32, #tpu.memory_space<vmem>>
    %dma_start3A_78 = tpu.memref_squeeze %dma_start3A_77 : memref<1x72x64xf32, #tpu.memory_space<vmem>> -> memref<72x64xf32, #tpu.memory_space<vmem>>
    %dma_start3A_79 = arith.constant 728 : i32
    %dma_start3A_80 = tpu.memref_slice %arg5[%dma_start3A_79] : memref<25600xi32, #tpu.memory_space<vmem>> -> memref<72xi32, #tpu.memory_space<vmem>>
    %dma_start3A_81 = arith.constant 0 : i32
    %dma_start3A_82 = arith.constant 0 : i32
    %dma_start3A_83 = tpu.memref_slice %arg3[%dma_start3A_81, %dma_start3A_82] : memref<1000000x64xf32, #tpu.memory_space<hbm>> -> memref<1000000x64xf32, #tpu.memory_space<hbm>>
    tpu.enqueue_indirect_dma source(%dma_start3A_83 : memref<1000000x64xf32, #tpu.memory_space<hbm>>) target(%dma_start3A_78 : memref<72x64xf32, #tpu.memory_space<vmem>>) offsets(%dma_start3A_80 : memref<72xi32, #tpu.memory_space<vmem>>) semaphore(%arg11 : memref<!tpu.dma_semaphore, #tpu.memory_space<semaphore_mem>>)
    %scan3A = arith.constant 0 : i32
    %scan3A_84 = arith.constant 0 : i32
    %scan3A_85 = arith.constant 32 : i32
    %scan3A_86 = arith.addi %scan3A_84, %scan3A_85 : i32
    %scan3A_87 = arith.constant 1 : i32
    scf.for %scan3A_89 = %scan3A_84 to %scan3A_86 step %scan3A_87  : i32 {
      %mul3A_90 = arith.constant 4 : i32
      %mul3A_91 = arith.muli %scan3A_89, %mul3A_90 : i32
      %add3A_92 = arith.constant 0 : i32
      %add3A_93 = arith.addi %mul3A_91, %add3A_92 : i32
      %dma_wait3A = arith.constant 0 : i32
      %dma_wait3A_94 = arith.constant 0 : i32
      %dma_wait3A_95 = arith.constant 0 : i32
      %dma_wait3A_96 = tpu.memref_slice %arg6[%dma_wait3A, %dma_wait3A_94, %dma_wait3A_95] : memref<4x200x64xf32, #tpu.memory_space<vmem>> -> memref<1x200x64xf32, #tpu.memory_space<vmem>>
      %dma_wait3A_97 = tpu.memref_squeeze %dma_wait3A_96 : memref<1x200x64xf32, #tpu.memory_space<vmem>> -> memref<200x64xf32, #tpu.memory_space<vmem>>
      %dma_wait3A_98 = arith.constant 0 : i32
      %dma_wait3A_99 = arith.constant 0 : i32
      %dma_wait3A_100 = tpu.memref_slice %arg3[%dma_wait3A_98, %dma_wait3A_99] : memref<1000000x64xf32, #tpu.memory_space<hbm>> -> memref<200x64xf32, #tpu.memory_space<hbm>>
      %dma_wait3A_101 = arith.constant 0 : i32
      %dma_wait3A_102 = arith.constant 0 : i32
      %dma_wait3A_103 = tpu.memref_slice %arg6[%dma_wait3A, %dma_wait3A_101, %dma_wait3A_102] : memref<4x200x64xf32, #tpu.memory_space<vmem>> -> memref<1x200x64xf32, #tpu.memory_space<vmem>>
      %dma_wait3A_104 = tpu.memref_squeeze %dma_wait3A_103 : memref<1x200x64xf32, #tpu.memory_space<vmem>> -> memref<200x64xf32, #tpu.memory_space<vmem>>
      %dma_wait3A_105 = arith.constant 0 : i32
      %dma_wait3A_106 = arith.constant 0 : i32
      %dma_wait3A_107 = tpu.memref_slice %arg3[%dma_wait3A_105, %dma_wait3A_106] : memref<1000000x64xf32, #tpu.memory_space<hbm>> -> memref<200x64xf32, #tpu.memory_space<hbm>>
      tpu.wait_dma2 semaphore(%arg8 : memref<!tpu.dma_semaphore, #tpu.memory_space<semaphore_mem>>) src(%dma_wait3A_107 : memref<200x64xf32, #tpu.memory_space<hbm>>) dst(%dma_wait3A_104 : memref<200x64xf32, #tpu.memory_space<vmem>>)
      %broadcast_in_dim3A = arith.constant 0.000000e+00 : f32
      %broadcast_in_dim3A_108 = vector.broadcast %broadcast_in_dim3A : f32 to vector<16xf32>
      %scan3A_109 = arith.constant 0 : i32
      %scan3A_110 = arith.constant 0 : i32
      %scan3A_111 = arith.constant 50 : i32
      %scan3A_112 = arith.addi %scan3A_110, %scan3A_111 : i32
      %scan3A_113 = arith.constant 1 : i32
      %scan3A_114:4 = scf.for %scan3A_304 = %scan3A_110 to %scan3A_112 step %scan3A_113 iter_args(%scan3A_305 = %broadcast_in_dim3A_108, %scan3A_306 = %broadcast_in_dim3A_108, %scan3A_307 = %broadcast_in_dim3A_108, %scan3A_308 = %broadcast_in_dim3A_108) -> (vector<16xf32>, vector<16xf32>, vector<16xf32>, vector<16xf32>)  : i32 {
        %mul3A_309 = arith.constant 4 : i32
        %mul3A_310 = arith.muli %scan3A_304, %mul3A_309 : i32
        %add3A_311 = arith.constant 0 : i32
        %add3A_312 = arith.addi %mul3A_310, %add3A_311 : i32
        %get3A = arith.constant 0 : i32
        %get3A_313 = arith.constant 0 : i32
        %get3A_314 = tpu.memref_slice %arg6[%scan3A_109, %get3A, %get3A_313] : memref<4x200x64xf32, #tpu.memory_space<vmem>> -> memref<1x200x64xf32, #tpu.memory_space<vmem>>
        %get3A_315 = tpu.memref_squeeze %get3A_314 : memref<1x200x64xf32, #tpu.memory_space<vmem>> -> memref<200x64xf32, #tpu.memory_space<vmem>>
        %get3A_316 = arith.index_cast %add3A_312 : i32 to index
        %get3A_317 = arith.constant 0 : index
        %get3A_318 = tpu.vector_load %get3A_315[%get3A_316, %get3A_317] {strides = array<i32>} : memref<200x64xf32, #tpu.memory_space<vmem>>, vector<1x16xf32>,
        %get3A_319 = vector.shape_cast %get3A_318 : vector<1x16xf32> to vector<16xf32>
        %add3A_320 = arith.addf %scan3A_305, %get3A_319 : vector<16xf32>
        %mul3A_321 = arith.constant 4 : i32
        %mul3A_322 = arith.muli %scan3A_304, %mul3A_321 : i32
        %add3A_323 = arith.constant 0 : i32
        %add3A_324 = arith.addi %mul3A_322, %add3A_323 : i32
        %get3A_325 = arith.constant 0 : i32
        %get3A_326 = arith.constant 0 : i32
        %get3A_327 = tpu.memref_slice %arg6[%scan3A_109, %get3A_325, %get3A_326] : memref<4x200x64xf32, #tpu.memory_space<vmem>> -> memref<1x200x64xf32, #tpu.memory_space<vmem>>
        %get3A_328 = tpu.memref_squeeze %get3A_327 : memref<1x200x64xf32, #tpu.memory_space<vmem>> -> memref<200x64xf32, #tpu.memory_space<vmem>>
        %get3A_329 = arith.index_cast %add3A_324 : i32 to index
        %get3A_330 = arith.constant 16 : index
        %get3A_331 = tpu.vector_load %get3A_328[%get3A_329, %get3A_330] {strides = array<i32>} : memref<200x64xf32, #tpu.memory_space<vmem>>, vector<1x16xf32>,
        %get3A_332 = vector.shape_cast %get3A_331 : vector<1x16xf32> to vector<16xf32>
        %add3A_333 = arith.addf %scan3A_306, %get3A_332 : vector<16xf32>
        %mul3A_334 = arith.constant 4 : i32
        %mul3A_335 = arith.muli %scan3A_304, %mul3A_334 : i32
        %add3A_336 = arith.constant 0 : i32
        %add3A_337 = arith.addi %mul3A_335, %add3A_336 : i32
        %get3A_338 = arith.constant 0 : i32
        %get3A_339 = arith.constant 0 : i32
        %get3A_340 = tpu.memref_slice %arg6[%scan3A_109, %get3A_338, %get3A_339] : memref<4x200x64xf32, #tpu.memory_space<vmem>> -> memref<1x200x64xf32, #tpu.memory_space<vmem>>
        %get3A_341 = tpu.memref_squeeze %get3A_340 : memref<1x200x64xf32, #tpu.memory_space<vmem>> -> memref<200x64xf32, #tpu.memory_space<vmem>>
        %get3A_342 = arith.index_cast %add3A_337 : i32 to index
        %get3A_343 = arith.constant 32 : index
        %get3A_344 = tpu.vector_load %get3A_341[%get3A_342, %get3A_343] {strides = array<i32>} : memref<200x64xf32, #tpu.memory_space<vmem>>, vector<1x16xf32>,
        %get3A_345 = vector.shape_cast %get3A_344 : vector<1x16xf32> to vector<16xf32>
        %add3A_346 = arith.addf %scan3A_307, %get3A_345 : vector<16xf32>
        %mul3A_347 = arith.constant 4 : i32
        %mul3A_348 = arith.muli %scan3A_304, %mul3A_347 : i32
        %add3A_349 = arith.constant 0 : i32
        %add3A_350 = arith.addi %mul3A_348, %add3A_349 : i32
        %get3A_351 = arith.constant 0 : i32
        %get3A_352 = arith.constant 0 : i32
        %get3A_353 = tpu.memref_slice %arg6[%scan3A_109, %get3A_351, %get3A_352] : memref<4x200x64xf32, #tpu.memory_space<vmem>> -> memref<1x200x64xf32, #tpu.memory_space<vmem>>
        %get3A_354 = tpu.memref_squeeze %get3A_353 : memref<1x200x64xf32, #tpu.memory_space<vmem>> -> memref<200x64xf32, #tpu.memory_space<vmem>>
        %get3A_355 = arith.index_cast %add3A_350 : i32 to index
        %get3A_356 = arith.constant 48 : index
        %get3A_357 = tpu.vector_load %get3A_354[%get3A_355, %get3A_356] {strides = array<i32>} : memref<200x64xf32, #tpu.memory_space<vmem>>, vector<1x16xf32>,
        %get3A_358 = vector.shape_cast %get3A_357 : vector<1x16xf32> to vector<16xf32>
        %add3A_359 = arith.addf %scan3A_308, %get3A_358 : vector<16xf32>
        %mul3A_360 = arith.constant 4 : i32
        %mul3A_361 = arith.muli %scan3A_304, %mul3A_360 : i32
        %add3A_362 = arith.constant 1 : i32
        %add3A_363 = arith.addi %mul3A_361, %add3A_362 : i32
        %get3A_364 = arith.constant 0 : i32
        %get3A_365 = arith.constant 0 : i32
        %get3A_366 = tpu.memref_slice %arg6[%scan3A_109, %get3A_364, %get3A_365] : memref<4x200x64xf32, #tpu.memory_space<vmem>> -> memref<1x200x64xf32, #tpu.memory_space<vmem>>
        %get3A_367 = tpu.memref_squeeze %get3A_366 : memref<1x200x64xf32, #tpu.memory_space<vmem>> -> memref<200x64xf32, #tpu.memory_space<vmem>>
        %get3A_368 = arith.index_cast %add3A_363 : i32 to index
        %get3A_369 = arith.constant 0 : index
        %get3A_370 = tpu.vector_load %get3A_367[%get3A_368, %get3A_369] {strides = array<i32>} : memref<200x64xf32, #tpu.memory_space<vmem>>, vector<1x16xf32>,
        %get3A_371 = vector.shape_cast %get3A_370 : vector<1x16xf32> to vector<16xf32>
        %add3A_372 = arith.addf %add3A_320, %get3A_371 : vector<16xf32>
        %mul3A_373 = arith.constant 4 : i32
        %mul3A_374 = arith.muli %scan3A_304, %mul3A_373 : i32
        %add3A_375 = arith.constant 1 : i32
        %add3A_376 = arith.addi %mul3A_374, %add3A_375 : i32
        %get3A_377 = arith.constant 0 : i32
        %get3A_378 = arith.constant 0 : i32
        %get3A_379 = tpu.memref_slice %arg6[%scan3A_109, %get3A_377, %get3A_378] : memref<4x200x64xf32, #tpu.memory_space<vmem>> -> memref<1x200x64xf32, #tpu.memory_space<vmem>>
        %get3A_380 = tpu.memref_squeeze %get3A_379 : memref<1x200x64xf32, #tpu.memory_space<vmem>> -> memref<200x64xf32, #tpu.memory_space<vmem>>
        %get3A_381 = arith.index_cast %add3A_376 : i32 to index
        %get3A_382 = arith.constant 16 : index
        %get3A_383 = tpu.vector_load %get3A_380[%get3A_381, %get3A_382] {strides = array<i32>} : memref<200x64xf32, #tpu.memory_space<vmem>>, vector<1x16xf32>,
        %get3A_384 = vector.shape_cast %get3A_383 : vector<1x16xf32> to vector<16xf32>
        %add3A_385 = arith.addf %add3A_333, %get3A_384 : vector<16xf32>
        %mul3A_386 = arith.constant 4 : i32
        %mul3A_387 = arith.muli %scan3A_304, %mul3A_386 : i32
        %add3A_388 = arith.constant 1 : i32
        %add3A_389 = arith.addi %mul3A_387, %add3A_388 : i32
        %get3A_390 = arith.constant 0 : i32
        %get3A_391 = arith.constant 0 : i32
        %get3A_392 = tpu.memref_slice %arg6[%scan3A_109, %get3A_390, %get3A_391] : memref<4x200x64xf32, #tpu.memory_space<vmem>> -> memref<1x200x64xf32, #tpu.memory_space<vmem>>
        %get3A_393 = tpu.memref_squeeze %get3A_392 : memref<1x200x64xf32, #tpu.memory_space<vmem>> -> memref<200x64xf32, #tpu.memory_space<vmem>>
        %get3A_394 = arith.index_cast %add3A_389 : i32 to index
        %get3A_395 = arith.constant 32 : index
        %get3A_396 = tpu.vector_load %get3A_393[%get3A_394, %get3A_395] {strides = array<i32>} : memref<200x64xf32, #tpu.memory_space<vmem>>, vector<1x16xf32>,
        %get3A_397 = vector.shape_cast %get3A_396 : vector<1x16xf32> to vector<16xf32>
        %add3A_398 = arith.addf %add3A_346, %get3A_397 : vector<16xf32>
        %mul3A_399 = arith.constant 4 : i32
        %mul3A_400 = arith.muli %scan3A_304, %mul3A_399 : i32
        %add3A_401 = arith.constant 1 : i32
        %add3A_402 = arith.addi %mul3A_400, %add3A_401 : i32
        %get3A_403 = arith.constant 0 : i32
        %get3A_404 = arith.constant 0 : i32
        %get3A_405 = tpu.memref_slice %arg6[%scan3A_109, %get3A_403, %get3A_404] : memref<4x200x64xf32, #tpu.memory_space<vmem>> -> memref<1x200x64xf32, #tpu.memory_space<vmem>>
        %get3A_406 = tpu.memref_squeeze %get3A_405 : memref<1x200x64xf32, #tpu.memory_space<vmem>> -> memref<200x64xf32, #tpu.memory_space<vmem>>
        %get3A_407 = arith.index_cast %add3A_402 : i32 to index
        %get3A_408 = arith.constant 48 : index
        %get3A_409 = tpu.vector_load %get3A_406[%get3A_407, %get3A_408] {strides = array<i32>} : memref<200x64xf32, #tpu.memory_space<vmem>>, vector<1x16xf32>,
        %get3A_410 = vector.shape_cast %get3A_409 : vector<1x16xf32> to vector<16xf32>
        %add3A_411 = arith.addf %add3A_359, %get3A_410 : vector<16xf32>
        %mul3A_412 = arith.constant 4 : i32
        %mul3A_413 = arith.muli %scan3A_304, %mul3A_412 : i32
        %add3A_414 = arith.constant 2 : i32
        %add3A_415 = arith.addi %mul3A_413, %add3A_414 : i32
        %get3A_416 = arith.constant 0 : i32
        %get3A_417 = arith.constant 0 : i32
        %get3A_418 = tpu.memref_slice %arg6[%scan3A_109, %get3A_416, %get3A_417] : memref<4x200x64xf32, #tpu.memory_space<vmem>> -> memref<1x200x64xf32, #tpu.memory_space<vmem>>
        %get3A_419 = tpu.memref_squeeze %get3A_418 : memref<1x200x64xf32, #tpu.memory_space<vmem>> -> memref<200x64xf32, #tpu.memory_space<vmem>>
        %get3A_420 = arith.index_cast %add3A_415 : i32 to index
        %get3A_421 = arith.constant 0 : index
        %get3A_422 = tpu.vector_load %get3A_419[%get3A_420, %get3A_421] {strides = array<i32>} : memref<200x64xf32, #tpu.memory_space<vmem>>, vector<1x16xf32>,
        %get3A_423 = vector.shape_cast %get3A_422 : vector<1x16xf32> to vector<16xf32>
        %add3A_424 = arith.addf %add3A_372, %get3A_423 : vector<16xf32>
        %mul3A_425 = arith.constant 4 : i32
        %mul3A_426 = arith.muli %scan3A_304, %mul3A_425 : i32
        %add3A_427 = arith.constant 2 : i32
        %add3A_428 = arith.addi %mul3A_426, %add3A_427 : i32
        %get3A_429 = arith.constant 0 : i32
        %get3A_430 = arith.constant 0 : i32
        %get3A_431 = tpu.memref_slice %arg6[%scan3A_109, %get3A_429, %get3A_430] : memref<4x200x64xf32, #tpu.memory_space<vmem>> -> memref<1x200x64xf32, #tpu.memory_space<vmem>>
        %get3A_432 = tpu.memref_squeeze %get3A_431 : memref<1x200x64xf32, #tpu.memory_space<vmem>> -> memref<200x64xf32, #tpu.memory_space<vmem>>
        %get3A_433 = arith.index_cast %add3A_428 : i32 to index
        %get3A_434 = arith.constant 16 : index
        %get3A_435 = tpu.vector_load %get3A_432[%get3A_433, %get3A_434] {strides = array<i32>} : memref<200x64xf32, #tpu.memory_space<vmem>>, vector<1x16xf32>,
        %get3A_436 = vector.shape_cast %get3A_435 : vector<1x16xf32> to vector<16xf32>
        %add3A_437 = arith.addf %add3A_385, %get3A_436 : vector<16xf32>
        %mul3A_438 = arith.constant 4 : i32
        %mul3A_439 = arith.muli %scan3A_304, %mul3A_438 : i32
        %add3A_440 = arith.constant 2 : i32
        %add3A_441 = arith.addi %mul3A_439, %add3A_440 : i32
        %get3A_442 = arith.constant 0 : i32
        %get3A_443 = arith.constant 0 : i32
        %get3A_444 = tpu.memref_slice %arg6[%scan3A_109, %get3A_442, %get3A_443] : memref<4x200x64xf32, #tpu.memory_space<vmem>> -> memref<1x200x64xf32, #tpu.memory_space<vmem>>
        %get3A_445 = tpu.memref_squeeze %get3A_444 : memref<1x200x64xf32, #tpu.memory_space<vmem>> -> memref<200x64xf32, #tpu.memory_space<vmem>>
        %get3A_446 = arith.index_cast %add3A_441 : i32 to index
        %get3A_447 = arith.constant 32 : index
        %get3A_448 = tpu.vector_load %get3A_445[%get3A_446, %get3A_447] {strides = array<i32>} : memref<200x64xf32, #tpu.memory_space<vmem>>, vector<1x16xf32>,
        %get3A_449 = vector.shape_cast %get3A_448 : vector<1x16xf32> to vector<16xf32>
        %add3A_450 = arith.addf %add3A_398, %get3A_449 : vector<16xf32>
        %mul3A_451 = arith.constant 4 : i32
        %mul3A_452 = arith.muli %scan3A_304, %mul3A_451 : i32
        %add3A_453 = arith.constant 2 : i32
        %add3A_454 = arith.addi %mul3A_452, %add3A_453 : i32
        %get3A_455 = arith.constant 0 : i32
        %get3A_456 = arith.constant 0 : i32
        %get3A_457 = tpu.memref_slice %arg6[%scan3A_109, %get3A_455, %get3A_456] : memref<4x200x64xf32, #tpu.memory_space<vmem>> -> memref<1x200x64xf32, #tpu.memory_space<vmem>>
        %get3A_458 = tpu.memref_squeeze %get3A_457 : memref<1x200x64xf32, #tpu.memory_space<vmem>> -> memref<200x64xf32, #tpu.memory_space<vmem>>
        %get3A_459 = arith.index_cast %add3A_454 : i32 to index
        %get3A_460 = arith.constant 48 : index
        %get3A_461 = tpu.vector_load %get3A_458[%get3A_459, %get3A_460] {strides = array<i32>} : memref<200x64xf32, #tpu.memory_space<vmem>>, vector<1x16xf32>,
        %get3A_462 = vector.shape_cast %get3A_461 : vector<1x16xf32> to vector<16xf32>
        %add3A_463 = arith.addf %add3A_411, %get3A_462 : vector<16xf32>
        %mul3A_464 = arith.constant 4 : i32
        %mul3A_465 = arith.muli %scan3A_304, %mul3A_464 : i32
        %add3A_466 = arith.constant 3 : i32
        %add3A_467 = arith.addi %mul3A_465, %add3A_466 : i32
        %get3A_468 = arith.constant 0 : i32
        %get3A_469 = arith.constant 0 : i32
        %get3A_470 = tpu.memref_slice %arg6[%scan3A_109, %get3A_468, %get3A_469] : memref<4x200x64xf32, #tpu.memory_space<vmem>> -> memref<1x200x64xf32, #tpu.memory_space<vmem>>
        %get3A_471 = tpu.memref_squeeze %get3A_470 : memref<1x200x64xf32, #tpu.memory_space<vmem>> -> memref<200x64xf32, #tpu.memory_space<vmem>>
        %get3A_472 = arith.index_cast %add3A_467 : i32 to index
        %get3A_473 = arith.constant 0 : index
        %get3A_474 = tpu.vector_load %get3A_471[%get3A_472, %get3A_473] {strides = array<i32>} : memref<200x64xf32, #tpu.memory_space<vmem>>, vector<1x16xf32>,
        %get3A_475 = vector.shape_cast %get3A_474 : vector<1x16xf32> to vector<16xf32>
        %add3A_476 = arith.addf %add3A_424, %get3A_475 : vector<16xf32>
        %mul3A_477 = arith.constant 4 : i32
        %mul3A_478 = arith.muli %scan3A_304, %mul3A_477 : i32
        %add3A_479 = arith.constant 3 : i32
        %add3A_480 = arith.addi %mul3A_478, %add3A_479 : i32
        %get3A_481 = arith.constant 0 : i32
        %get3A_482 = arith.constant 0 : i32
        %get3A_483 = tpu.memref_slice %arg6[%scan3A_109, %get3A_481, %get3A_482] : memref<4x200x64xf32, #tpu.memory_space<vmem>> -> memref<1x200x64xf32, #tpu.memory_space<vmem>>
        %get3A_484 = tpu.memref_squeeze %get3A_483 : memref<1x200x64xf32, #tpu.memory_space<vmem>> -> memref<200x64xf32, #tpu.memory_space<vmem>>
        %get3A_485 = arith.index_cast %add3A_480 : i32 to index
        %get3A_486 = arith.constant 16 : index
        %get3A_487 = tpu.vector_load %get3A_484[%get3A_485, %get3A_486] {strides = array<i32>} : memref<200x64xf32, #tpu.memory_space<vmem>>, vector<1x16xf32>,
        %get3A_488 = vector.shape_cast %get3A_487 : vector<1x16xf32> to vector<16xf32>
        %add3A_489 = arith.addf %add3A_437, %get3A_488 : vector<16xf32>
        %mul3A_490 = arith.constant 4 : i32
        %mul3A_491 = arith.muli %scan3A_304, %mul3A_490 : i32
        %add3A_492 = arith.constant 3 : i32
        %add3A_493 = arith.addi %mul3A_491, %add3A_492 : i32
        %get3A_494 = arith.constant 0 : i32
        %get3A_495 = arith.constant 0 : i32
        %get3A_496 = tpu.memref_slice %arg6[%scan3A_109, %get3A_494, %get3A_495] : memref<4x200x64xf32, #tpu.memory_space<vmem>> -> memref<1x200x64xf32, #tpu.memory_space<vmem>>
        %get3A_497 = tpu.memref_squeeze %get3A_496 : memref<1x200x64xf32, #tpu.memory_space<vmem>> -> memref<200x64xf32, #tpu.memory_space<vmem>>
        %get3A_498 = arith.index_cast %add3A_493 : i32 to index
        %get3A_499 = arith.constant 32 : index
        %get3A_500 = tpu.vector_load %get3A_497[%get3A_498, %get3A_499] {strides = array<i32>} : memref<200x64xf32, #tpu.memory_space<vmem>>, vector<1x16xf32>,
        %get3A_501 = vector.shape_cast %get3A_500 : vector<1x16xf32> to vector<16xf32>
        %add3A_502 = arith.addf %add3A_450, %get3A_501 : vector<16xf32>
        %mul3A_503 = arith.constant 4 : i32
        %mul3A_504 = arith.muli %scan3A_304, %mul3A_503 : i32
        %add3A_505 = arith.constant 3 : i32
        %add3A_506 = arith.addi %mul3A_504, %add3A_505 : i32
        %get3A_507 = arith.constant 0 : i32
        %get3A_508 = arith.constant 0 : i32
        %get3A_509 = tpu.memref_slice %arg6[%scan3A_109, %get3A_507, %get3A_508] : memref<4x200x64xf32, #tpu.memory_space<vmem>> -> memref<1x200x64xf32, #tpu.memory_space<vmem>>
        %get3A_510 = tpu.memref_squeeze %get3A_509 : memref<1x200x64xf32, #tpu.memory_space<vmem>> -> memref<200x64xf32, #tpu.memory_space<vmem>>
        %get3A_511 = arith.index_cast %add3A_506 : i32 to index
        %get3A_512 = arith.constant 48 : index
        %get3A_513 = tpu.vector_load %get3A_510[%get3A_511, %get3A_512] {strides = array<i32>} : memref<200x64xf32, #tpu.memory_space<vmem>>, vector<1x16xf32>,
        %get3A_514 = vector.shape_cast %get3A_513 : vector<1x16xf32> to vector<16xf32>
        %add3A_515 = arith.addf %add3A_463, %get3A_514 : vector<16xf32>
        scf.yield %add3A_476, %add3A_489, %add3A_502, %add3A_515 : vector<16xf32>, vector<16xf32>, vector<16xf32>, vector<16xf32>
      }
      %scan3A_115 = arith.constant 50 : i32
      %swap3A = arith.index_cast %add3A_93 : i32 to index
      %swap3A_116 = arith.constant 0 : index
      %swap3A_117 = tpu.vector_load %arg7[%swap3A, %swap3A_116] {strides = array<i32>} : memref<128x64xf32, #tpu.memory_space<vmem>>, vector<1x16xf32>,
      %swap3A_118 = vector.shape_cast %swap3A_117 : vector<1x16xf32> to vector<16xf32>
      %swap3A_119 = vector.shape_cast %scan3A_114#0 : vector<16xf32> to vector<1x16xf32>
      tpu.vector_store %arg7[%swap3A, %swap3A_116], %swap3A_119 {strides = array<i32>} : memref<128x64xf32, #tpu.memory_space<vmem>>, vector<1x16xf32>,
      %swap3A_120 = arith.index_cast %add3A_93 : i32 to index
      %swap3A_121 = arith.constant 16 : index
      %swap3A_122 = tpu.vector_load %arg7[%swap3A_120, %swap3A_121] {strides = array<i32>} : memref<128x64xf32, #tpu.memory_space<vmem>>, vector<1x16xf32>,
      %swap3A_123 = vector.shape_cast %swap3A_122 : vector<1x16xf32> to vector<16xf32>
      %swap3A_124 = vector.shape_cast %scan3A_114#1 : vector<16xf32> to vector<1x16xf32>
      tpu.vector_store %arg7[%swap3A_120, %swap3A_121], %swap3A_124 {strides = array<i32>} : memref<128x64xf32, #tpu.memory_space<vmem>>, vector<1x16xf32>,
      %swap3A_125 = arith.index_cast %add3A_93 : i32 to index
      %swap3A_126 = arith.constant 32 : index
      %swap3A_127 = tpu.vector_load %arg7[%swap3A_125, %swap3A_126] {strides = array<i32>} : memref<128x64xf32, #tpu.memory_space<vmem>>, vector<1x16xf32>,
      %swap3A_128 = vector.shape_cast %swap3A_127 : vector<1x16xf32> to vector<16xf32>
      %swap3A_129 = vector.shape_cast %scan3A_114#2 : vector<16xf32> to vector<1x16xf32>
      tpu.vector_store %arg7[%swap3A_125, %swap3A_126], %swap3A_129 {strides = array<i32>} : memref<128x64xf32, #tpu.memory_space<vmem>>, vector<1x16xf32>,
      %swap3A_130 = arith.index_cast %add3A_93 : i32 to index
      %swap3A_131 = arith.constant 48 : index
      %swap3A_132 = tpu.vector_load %arg7[%swap3A_130, %swap3A_131] {strides = array<i32>} : memref<128x64xf32, #tpu.memory_space<vmem>>, vector<1x16xf32>,
      %swap3A_133 = vector.shape_cast %swap3A_132 : vector<1x16xf32> to vector<16xf32>
      %swap3A_134 = vector.shape_cast %scan3A_114#3 : vector<16xf32> to vector<1x16xf32>
      tpu.vector_store %arg7[%swap3A_130, %swap3A_131], %swap3A_134 {strides = array<i32>} : memref<128x64xf32, #tpu.memory_space<vmem>>, vector<1x16xf32>,
      %add3A_135 = arith.constant 4 : i32
      %add3A_136 = arith.addi %add3A_93, %add3A_135 : i32
      %lt3A = arith.constant 128 : i32
      %lt3A_137 = arith.cmpi slt, %add3A_136, %lt3A : i32
      %convert_element_type3A = arith.extui %lt3A_137 : i1 to i32
      %cond3A = arith.constant 0 : i32
      %cond3A_138 = arith.cmpi ne, %convert_element_type3A, %cond3A : i32
      scf.if %cond3A_138 {
        %add3A_304 = arith.constant 4 : i32
        %add3A_305 = arith.addi %add3A_93, %add3A_304 : i32
        %mul3A_306 = arith.constant 200 : i32
        %mul3A_307 = arith.muli %add3A_305, %mul3A_306 : i32
        %dma_start3A_308 = arith.constant 0 : i32
        %dma_start3A_309 = arith.constant 0 : i32
        %dma_start3A_310 = arith.constant 0 : i32
        %dma_start3A_311 = tpu.memref_slice %arg6[%dma_start3A_308, %dma_start3A_309, %dma_start3A_310] : memref<4x200x64xf32, #tpu.memory_space<vmem>> -> memref<1x128x64xf32, #tpu.memory_space<vmem>>
        %dma_start3A_312 = tpu.memref_squeeze %dma_start3A_311 : memref<1x128x64xf32, #tpu.memory_space<vmem>> -> memref<128x64xf32, #tpu.memory_space<vmem>>
        %dma_start3A_313 = tpu.memref_slice %arg5[%mul3A_307] : memref<25600xi32, #tpu.memory_space<vmem>> -> memref<128xi32, #tpu.memory_space<vmem>>
        %dma_start3A_314 = arith.constant 0 : i32
        %dma_start3A_315 = arith.constant 0 : i32
        %dma_start3A_316 = tpu.memref_slice %arg3[%dma_start3A_314, %dma_start3A_315] : memref<1000000x64xf32, #tpu.memory_space<hbm>> -> memref<1000000x64xf32, #tpu.memory_space<hbm>>
        tpu.enqueue_indirect_dma source(%dma_start3A_316 : memref<1000000x64xf32, #tpu.memory_space<hbm>>) target(%dma_start3A_312 : memref<128x64xf32, #tpu.memory_space<vmem>>) offsets(%dma_start3A_313 : memref<128xi32, #tpu.memory_space<vmem>>) semaphore(%arg8 : memref<!tpu.dma_semaphore, #tpu.memory_space<semaphore_mem>>)
        %add3A_317 = arith.constant 128 : i32
        %add3A_318 = arith.addi %mul3A_307, %add3A_317 : i32
        %dma_start3A_319 = arith.constant 0 : i32
        %dma_start3A_320 = arith.constant 128 : i32
        %dma_start3A_321 = arith.constant 0 : i32
        %dma_start3A_322 = tpu.memref_slice %arg6[%dma_start3A_319, %dma_start3A_320, %dma_start3A_321] : memref<4x200x64xf32, #tpu.memory_space<vmem>> -> memref<1x72x64xf32, #tpu.memory_space<vmem>>
        %dma_start3A_323 = tpu.memref_squeeze %dma_start3A_322 : memref<1x72x64xf32, #tpu.memory_space<vmem>> -> memref<72x64xf32, #tpu.memory_space<vmem>>
        %dma_start3A_324 = tpu.memref_slice %arg5[%add3A_318] : memref<25600xi32, #tpu.memory_space<vmem>> -> memref<72xi32, #tpu.memory_space<vmem>>
        %dma_start3A_325 = arith.constant 0 : i32
        %dma_start3A_326 = arith.constant 0 : i32
        %dma_start3A_327 = tpu.memref_slice %arg3[%dma_start3A_325, %dma_start3A_326] : memref<1000000x64xf32, #tpu.memory_space<hbm>> -> memref<1000000x64xf32, #tpu.memory_space<hbm>>
        tpu.enqueue_indirect_dma source(%dma_start3A_327 : memref<1000000x64xf32, #tpu.memory_space<hbm>>) target(%dma_start3A_323 : memref<72x64xf32, #tpu.memory_space<vmem>>) offsets(%dma_start3A_324 : memref<72xi32, #tpu.memory_space<vmem>>) semaphore(%arg8 : memref<!tpu.dma_semaphore, #tpu.memory_space<semaphore_mem>>)
      } else {
      }
      %mul3A_139 = arith.constant 4 : i32
      %mul3A_140 = arith.muli %scan3A_89, %mul3A_139 : i32
      %add3A_141 = arith.constant 1 : i32
      %add3A_142 = arith.addi %mul3A_140, %add3A_141 : i32
      %dma_wait3A_143 = arith.constant 1 : i32
      %dma_wait3A_144 = arith.constant 0 : i32
      %dma_wait3A_145 = arith.constant 0 : i32
      %dma_wait3A_146 = tpu.memref_slice %arg6[%dma_wait3A_143, %dma_wait3A_144, %dma_wait3A_145] : memref<4x200x64xf32, #tpu.memory_space<vmem>> -> memref<1x200x64xf32, #tpu.memory_space<vmem>>
      %dma_wait3A_147 = tpu.memref_squeeze %dma_wait3A_146 : memref<1x200x64xf32, #tpu.memory_space<vmem>> -> memref<200x64xf32, #tpu.memory_space<vmem>>
      %dma_wait3A_148 = arith.constant 0 : i32
      %dma_wait3A_149 = arith.constant 0 : i32
      %dma_wait3A_150 = tpu.memref_slice %arg3[%dma_wait3A_148, %dma_wait3A_149] : memref<1000000x64xf32, #tpu.memory_space<hbm>> -> memref<200x64xf32, #tpu.memory_space<hbm>>
      %dma_wait3A_151 = arith.constant 0 : i32
      %dma_wait3A_152 = arith.constant 0 : i32
      %dma_wait3A_153 = tpu.memref_slice %arg6[%dma_wait3A_143, %dma_wait3A_151, %dma_wait3A_152] : memref<4x200x64xf32, #tpu.memory_space<vmem>> -> memref<1x200x64xf32, #tpu.memory_space<vmem>>
      %dma_wait3A_154 = tpu.memref_squeeze %dma_wait3A_153 : memref<1x200x64xf32, #tpu.memory_space<vmem>> -> memref<200x64xf32, #tpu.memory_space<vmem>>
      %dma_wait3A_155 = arith.constant 0 : i32
      %dma_wait3A_156 = arith.constant 0 : i32
      %dma_wait3A_157 = tpu.memref_slice %arg3[%dma_wait3A_155, %dma_wait3A_156] : memref<1000000x64xf32, #tpu.memory_space<hbm>> -> memref<200x64xf32, #tpu.memory_space<hbm>>
      tpu.wait_dma2 semaphore(%arg9 : memref<!tpu.dma_semaphore, #tpu.memory_space<semaphore_mem>>) src(%dma_wait3A_157 : memref<200x64xf32, #tpu.memory_space<hbm>>) dst(%dma_wait3A_154 : memref<200x64xf32, #tpu.memory_space<vmem>>)
      %broadcast_in_dim3A_158 = arith.constant 0.000000e+00 : f32
      %broadcast_in_dim3A_159 = vector.broadcast %broadcast_in_dim3A_158 : f32 to vector<16xf32>
      %scan3A_160 = arith.constant 1 : i32
      %scan3A_161 = arith.constant 0 : i32
      %scan3A_162 = arith.constant 50 : i32
      %scan3A_163 = arith.addi %scan3A_161, %scan3A_162 : i32
      %scan3A_164 = arith.constant 1 : i32
      %scan3A_165:4 = scf.for %scan3A_304 = %scan3A_161 to %scan3A_163 step %scan3A_164 iter_args(%scan3A_305 = %broadcast_in_dim3A_159, %scan3A_306 = %broadcast_in_dim3A_159, %scan3A_307 = %broadcast_in_dim3A_159, %scan3A_308 = %broadcast_in_dim3A_159) -> (vector<16xf32>, vector<16xf32>, vector<16xf32>, vector<16xf32>)  : i32 {
        %mul3A_309 = arith.constant 4 : i32
        %mul3A_310 = arith.muli %scan3A_304, %mul3A_309 : i32
        %add3A_311 = arith.constant 0 : i32
        %add3A_312 = arith.addi %mul3A_310, %add3A_311 : i32
        %get3A = arith.constant 0 : i32
        %get3A_313 = arith.constant 0 : i32
        %get3A_314 = tpu.memref_slice %arg6[%scan3A_160, %get3A, %get3A_313] : memref<4x200x64xf32, #tpu.memory_space<vmem>> -> memref<1x200x64xf32, #tpu.memory_space<vmem>>
        %get3A_315 = tpu.memref_squeeze %get3A_314 : memref<1x200x64xf32, #tpu.memory_space<vmem>> -> memref<200x64xf32, #tpu.memory_space<vmem>>
        %get3A_316 = arith.index_cast %add3A_312 : i32 to index
        %get3A_317 = arith.constant 0 : index
        %get3A_318 = tpu.vector_load %get3A_315[%get3A_316, %get3A_317] {strides = array<i32>} : memref<200x64xf32, #tpu.memory_space<vmem>>, vector<1x16xf32>,
        %get3A_319 = vector.shape_cast %get3A_318 : vector<1x16xf32> to vector<16xf32>
        %add3A_320 = arith.addf %scan3A_305, %get3A_319 : vector<16xf32>
        %mul3A_321 = arith.constant 4 : i32
        %mul3A_322 = arith.muli %scan3A_304, %mul3A_321 : i32
        %add3A_323 = arith.constant 0 : i32
        %add3A_324 = arith.addi %mul3A_322, %add3A_323 : i32
        %get3A_325 = arith.constant 0 : i32
        %get3A_326 = arith.constant 0 : i32
        %get3A_327 = tpu.memref_slice %arg6[%scan3A_160, %get3A_325, %get3A_326] : memref<4x200x64xf32, #tpu.memory_space<vmem>> -> memref<1x200x64xf32, #tpu.memory_space<vmem>>
        %get3A_328 = tpu.memref_squeeze %get3A_327 : memref<1x200x64xf32, #tpu.memory_space<vmem>> -> memref<200x64xf32, #tpu.memory_space<vmem>>
        %get3A_329 = arith.index_cast %add3A_324 : i32 to index
        %get3A_330 = arith.constant 16 : index
        %get3A_331 = tpu.vector_load %get3A_328[%get3A_329, %get3A_330] {strides = array<i32>} : memref<200x64xf32, #tpu.memory_space<vmem>>, vector<1x16xf32>,
        %get3A_332 = vector.shape_cast %get3A_331 : vector<1x16xf32> to vector<16xf32>
        %add3A_333 = arith.addf %scan3A_306, %get3A_332 : vector<16xf32>
        %mul3A_334 = arith.constant 4 : i32
        %mul3A_335 = arith.muli %scan3A_304, %mul3A_334 : i32
        %add3A_336 = arith.constant 0 : i32
        %add3A_337 = arith.addi %mul3A_335, %add3A_336 : i32
        %get3A_338 = arith.constant 0 : i32
        %get3A_339 = arith.constant 0 : i32
        %get3A_340 = tpu.memref_slice %arg6[%scan3A_160, %get3A_338, %get3A_339] : memref<4x200x64xf32, #tpu.memory_space<vmem>> -> memref<1x200x64xf32, #tpu.memory_space<vmem>>
        %get3A_341 = tpu.memref_squeeze %get3A_340 : memref<1x200x64xf32, #tpu.memory_space<vmem>> -> memref<200x64xf32, #tpu.memory_space<vmem>>
        %get3A_342 = arith.index_cast %add3A_337 : i32 to index
        %get3A_343 = arith.constant 32 : index
        %get3A_344 = tpu.vector_load %get3A_341[%get3A_342, %get3A_343] {strides = array<i32>} : memref<200x64xf32, #tpu.memory_space<vmem>>, vector<1x16xf32>,
        %get3A_345 = vector.shape_cast %get3A_344 : vector<1x16xf32> to vector<16xf32>
        %add3A_346 = arith.addf %scan3A_307, %get3A_345 : vector<16xf32>
        %mul3A_347 = arith.constant 4 : i32
        %mul3A_348 = arith.muli %scan3A_304, %mul3A_347 : i32
        %add3A_349 = arith.constant 0 : i32
        %add3A_350 = arith.addi %mul3A_348, %add3A_349 : i32
        %get3A_351 = arith.constant 0 : i32
        %get3A_352 = arith.constant 0 : i32
        %get3A_353 = tpu.memref_slice %arg6[%scan3A_160, %get3A_351, %get3A_352] : memref<4x200x64xf32, #tpu.memory_space<vmem>> -> memref<1x200x64xf32, #tpu.memory_space<vmem>>
        %get3A_354 = tpu.memref_squeeze %get3A_353 : memref<1x200x64xf32, #tpu.memory_space<vmem>> -> memref<200x64xf32, #tpu.memory_space<vmem>>
        %get3A_355 = arith.index_cast %add3A_350 : i32 to index
        %get3A_356 = arith.constant 48 : index
        %get3A_357 = tpu.vector_load %get3A_354[%get3A_355, %get3A_356] {strides = array<i32>} : memref<200x64xf32, #tpu.memory_space<vmem>>, vector<1x16xf32>,
        %get3A_358 = vector.shape_cast %get3A_357 : vector<1x16xf32> to vector<16xf32>
        %add3A_359 = arith.addf %scan3A_308, %get3A_358 : vector<16xf32>
        %mul3A_360 = arith.constant 4 : i32
        %mul3A_361 = arith.muli %scan3A_304, %mul3A_360 : i32
        %add3A_362 = arith.constant 1 : i32
        %add3A_363 = arith.addi %mul3A_361, %add3A_362 : i32
        %get3A_364 = arith.constant 0 : i32
        %get3A_365 = arith.constant 0 : i32
        %get3A_366 = tpu.memref_slice %arg6[%scan3A_160, %get3A_364, %get3A_365] : memref<4x200x64xf32, #tpu.memory_space<vmem>> -> memref<1x200x64xf32, #tpu.memory_space<vmem>>
        %get3A_367 = tpu.memref_squeeze %get3A_366 : memref<1x200x64xf32, #tpu.memory_space<vmem>> -> memref<200x64xf32, #tpu.memory_space<vmem>>
        %get3A_368 = arith.index_cast %add3A_363 : i32 to index
        %get3A_369 = arith.constant 0 : index
        %get3A_370 = tpu.vector_load %get3A_367[%get3A_368, %get3A_369] {strides = array<i32>} : memref<200x64xf32, #tpu.memory_space<vmem>>, vector<1x16xf32>,
        %get3A_371 = vector.shape_cast %get3A_370 : vector<1x16xf32> to vector<16xf32>
        %add3A_372 = arith.addf %add3A_320, %get3A_371 : vector<16xf32>
        %mul3A_373 = arith.constant 4 : i32
        %mul3A_374 = arith.muli %scan3A_304, %mul3A_373 : i32
        %add3A_375 = arith.constant 1 : i32
        %add3A_376 = arith.addi %mul3A_374, %add3A_375 : i32
        %get3A_377 = arith.constant 0 : i32
        %get3A_378 = arith.constant 0 : i32
        %get3A_379 = tpu.memref_slice %arg6[%scan3A_160, %get3A_377, %get3A_378] : memref<4x200x64xf32, #tpu.memory_space<vmem>> -> memref<1x200x64xf32, #tpu.memory_space<vmem>>
        %get3A_380 = tpu.memref_squeeze %get3A_379 : memref<1x200x64xf32, #tpu.memory_space<vmem>> -> memref<200x64xf32, #tpu.memory_space<vmem>>
        %get3A_381 = arith.index_cast %add3A_376 : i32 to index
        %get3A_382 = arith.constant 16 : index
        %get3A_383 = tpu.vector_load %get3A_380[%get3A_381, %get3A_382] {strides = array<i32>} : memref<200x64xf32, #tpu.memory_space<vmem>>, vector<1x16xf32>,
        %get3A_384 = vector.shape_cast %get3A_383 : vector<1x16xf32> to vector<16xf32>
        %add3A_385 = arith.addf %add3A_333, %get3A_384 : vector<16xf32>
        %mul3A_386 = arith.constant 4 : i32
        %mul3A_387 = arith.muli %scan3A_304, %mul3A_386 : i32
        %add3A_388 = arith.constant 1 : i32
        %add3A_389 = arith.addi %mul3A_387, %add3A_388 : i32
        %get3A_390 = arith.constant 0 : i32
        %get3A_391 = arith.constant 0 : i32
        %get3A_392 = tpu.memref_slice %arg6[%scan3A_160, %get3A_390, %get3A_391] : memref<4x200x64xf32, #tpu.memory_space<vmem>> -> memref<1x200x64xf32, #tpu.memory_space<vmem>>
        %get3A_393 = tpu.memref_squeeze %get3A_392 : memref<1x200x64xf32, #tpu.memory_space<vmem>> -> memref<200x64xf32, #tpu.memory_space<vmem>>
        %get3A_394 = arith.index_cast %add3A_389 : i32 to index
        %get3A_395 = arith.constant 32 : index
        %get3A_396 = tpu.vector_load %get3A_393[%get3A_394, %get3A_395] {strides = array<i32>} : memref<200x64xf32, #tpu.memory_space<vmem>>, vector<1x16xf32>,
        %get3A_397 = vector.shape_cast %get3A_396 : vector<1x16xf32> to vector<16xf32>
        %add3A_398 = arith.addf %add3A_346, %get3A_397 : vector<16xf32>
        %mul3A_399 = arith.constant 4 : i32
        %mul3A_400 = arith.muli %scan3A_304, %mul3A_399 : i32
        %add3A_401 = arith.constant 1 : i32
        %add3A_402 = arith.addi %mul3A_400, %add3A_401 : i32
        %get3A_403 = arith.constant 0 : i32
        %get3A_404 = arith.constant 0 : i32
        %get3A_405 = tpu.memref_slice %arg6[%scan3A_160, %get3A_403, %get3A_404] : memref<4x200x64xf32, #tpu.memory_space<vmem>> -> memref<1x200x64xf32, #tpu.memory_space<vmem>>
        %get3A_406 = tpu.memref_squeeze %get3A_405 : memref<1x200x64xf32, #tpu.memory_space<vmem>> -> memref<200x64xf32, #tpu.memory_space<vmem>>
        %get3A_407 = arith.index_cast %add3A_402 : i32 to index
        %get3A_408 = arith.constant 48 : index
        %get3A_409 = tpu.vector_load %get3A_406[%get3A_407, %get3A_408] {strides = array<i32>} : memref<200x64xf32, #tpu.memory_space<vmem>>, vector<1x16xf32>,
        %get3A_410 = vector.shape_cast %get3A_409 : vector<1x16xf32> to vector<16xf32>
        %add3A_411 = arith.addf %add3A_359, %get3A_410 : vector<16xf32>
        %mul3A_412 = arith.constant 4 : i32
        %mul3A_413 = arith.muli %scan3A_304, %mul3A_412 : i32
        %add3A_414 = arith.constant 2 : i32
        %add3A_415 = arith.addi %mul3A_413, %add3A_414 : i32
        %get3A_416 = arith.constant 0 : i32
        %get3A_417 = arith.constant 0 : i32
        %get3A_418 = tpu.memref_slice %arg6[%scan3A_160, %get3A_416, %get3A_417] : memref<4x200x64xf32, #tpu.memory_space<vmem>> -> memref<1x200x64xf32, #tpu.memory_space<vmem>>
        %get3A_419 = tpu.memref_squeeze %get3A_418 : memref<1x200x64xf32, #tpu.memory_space<vmem>> -> memref<200x64xf32, #tpu.memory_space<vmem>>
        %get3A_420 = arith.index_cast %add3A_415 : i32 to index
        %get3A_421 = arith.constant 0 : index
        %get3A_422 = tpu.vector_load %get3A_419[%get3A_420, %get3A_421] {strides = array<i32>} : memref<200x64xf32, #tpu.memory_space<vmem>>, vector<1x16xf32>,
        %get3A_423 = vector.shape_cast %get3A_422 : vector<1x16xf32> to vector<16xf32>
        %add3A_424 = arith.addf %add3A_372, %get3A_423 : vector<16xf32>
        %mul3A_425 = arith.constant 4 : i32
        %mul3A_426 = arith.muli %scan3A_304, %mul3A_425 : i32
        %add3A_427 = arith.constant 2 : i32
        %add3A_428 = arith.addi %mul3A_426, %add3A_427 : i32
        %get3A_429 = arith.constant 0 : i32
        %get3A_430 = arith.constant 0 : i32
        %get3A_431 = tpu.memref_slice %arg6[%scan3A_160, %get3A_429, %get3A_430] : memref<4x200x64xf32, #tpu.memory_space<vmem>> -> memref<1x200x64xf32, #tpu.memory_space<vmem>>
        %get3A_432 = tpu.memref_squeeze %get3A_431 : memref<1x200x64xf32, #tpu.memory_space<vmem>> -> memref<200x64xf32, #tpu.memory_space<vmem>>
        %get3A_433 = arith.index_cast %add3A_428 : i32 to index
        %get3A_434 = arith.constant 16 : index
        %get3A_435 = tpu.vector_load %get3A_432[%get3A_433, %get3A_434] {strides = array<i32>} : memref<200x64xf32, #tpu.memory_space<vmem>>, vector<1x16xf32>,
        %get3A_436 = vector.shape_cast %get3A_435 : vector<1x16xf32> to vector<16xf32>
        %add3A_437 = arith.addf %add3A_385, %get3A_436 : vector<16xf32>
        %mul3A_438 = arith.constant 4 : i32
        %mul3A_439 = arith.muli %scan3A_304, %mul3A_438 : i32
        %add3A_440 = arith.constant 2 : i32
        %add3A_441 = arith.addi %mul3A_439, %add3A_440 : i32
        %get3A_442 = arith.constant 0 : i32
        %get3A_443 = arith.constant 0 : i32
        %get3A_444 = tpu.memref_slice %arg6[%scan3A_160, %get3A_442, %get3A_443] : memref<4x200x64xf32, #tpu.memory_space<vmem>> -> memref<1x200x64xf32, #tpu.memory_space<vmem>>
        %get3A_445 = tpu.memref_squeeze %get3A_444 : memref<1x200x64xf32, #tpu.memory_space<vmem>> -> memref<200x64xf32, #tpu.memory_space<vmem>>
        %get3A_446 = arith.index_cast %add3A_441 : i32 to index
        %get3A_447 = arith.constant 32 : index
        %get3A_448 = tpu.vector_load %get3A_445[%get3A_446, %get3A_447] {strides = array<i32>} : memref<200x64xf32, #tpu.memory_space<vmem>>, vector<1x16xf32>,
        %get3A_449 = vector.shape_cast %get3A_448 : vector<1x16xf32> to vector<16xf32>
        %add3A_450 = arith.addf %add3A_398, %get3A_449 : vector<16xf32>
        %mul3A_451 = arith.constant 4 : i32
        %mul3A_452 = arith.muli %scan3A_304, %mul3A_451 : i32
        %add3A_453 = arith.constant 2 : i32
        %add3A_454 = arith.addi %mul3A_452, %add3A_453 : i32
        %get3A_455 = arith.constant 0 : i32
        %get3A_456 = arith.constant 0 : i32
        %get3A_457 = tpu.memref_slice %arg6[%scan3A_160, %get3A_455, %get3A_456] : memref<4x200x64xf32, #tpu.memory_space<vmem>> -> memref<1x200x64xf32, #tpu.memory_space<vmem>>
        %get3A_458 = tpu.memref_squeeze %get3A_457 : memref<1x200x64xf32, #tpu.memory_space<vmem>> -> memref<200x64xf32, #tpu.memory_space<vmem>>
        %get3A_459 = arith.index_cast %add3A_454 : i32 to index
        %get3A_460 = arith.constant 48 : index
        %get3A_461 = tpu.vector_load %get3A_458[%get3A_459, %get3A_460] {strides = array<i32>} : memref<200x64xf32, #tpu.memory_space<vmem>>, vector<1x16xf32>,
        %get3A_462 = vector.shape_cast %get3A_461 : vector<1x16xf32> to vector<16xf32>
        %add3A_463 = arith.addf %add3A_411, %get3A_462 : vector<16xf32>
        %mul3A_464 = arith.constant 4 : i32
        %mul3A_465 = arith.muli %scan3A_304, %mul3A_464 : i32
        %add3A_466 = arith.constant 3 : i32
        %add3A_467 = arith.addi %mul3A_465, %add3A_466 : i32
        %get3A_468 = arith.constant 0 : i32
        %get3A_469 = arith.constant 0 : i32
        %get3A_470 = tpu.memref_slice %arg6[%scan3A_160, %get3A_468, %get3A_469] : memref<4x200x64xf32, #tpu.memory_space<vmem>> -> memref<1x200x64xf32, #tpu.memory_space<vmem>>
        %get3A_471 = tpu.memref_squeeze %get3A_470 : memref<1x200x64xf32, #tpu.memory_space<vmem>> -> memref<200x64xf32, #tpu.memory_space<vmem>>
        %get3A_472 = arith.index_cast %add3A_467 : i32 to index
        %get3A_473 = arith.constant 0 : index
        %get3A_474 = tpu.vector_load %get3A_471[%get3A_472, %get3A_473] {strides = array<i32>} : memref<200x64xf32, #tpu.memory_space<vmem>>, vector<1x16xf32>,
        %get3A_475 = vector.shape_cast %get3A_474 : vector<1x16xf32> to vector<16xf32>
        %add3A_476 = arith.addf %add3A_424, %get3A_475 : vector<16xf32>
        %mul3A_477 = arith.constant 4 : i32
        %mul3A_478 = arith.muli %scan3A_304, %mul3A_477 : i32
        %add3A_479 = arith.constant 3 : i32
        %add3A_480 = arith.addi %mul3A_478, %add3A_479 : i32
        %get3A_481 = arith.constant 0 : i32
        %get3A_482 = arith.constant 0 : i32
        %get3A_483 = tpu.memref_slice %arg6[%scan3A_160, %get3A_481, %get3A_482] : memref<4x200x64xf32, #tpu.memory_space<vmem>> -> memref<1x200x64xf32, #tpu.memory_space<vmem>>
        %get3A_484 = tpu.memref_squeeze %get3A_483 : memref<1x200x64xf32, #tpu.memory_space<vmem>> -> memref<200x64xf32, #tpu.memory_space<vmem>>
        %get3A_485 = arith.index_cast %add3A_480 : i32 to index
        %get3A_486 = arith.constant 16 : index
        %get3A_487 = tpu.vector_load %get3A_484[%get3A_485, %get3A_486] {strides = array<i32>} : memref<200x64xf32, #tpu.memory_space<vmem>>, vector<1x16xf32>,
        %get3A_488 = vector.shape_cast %get3A_487 : vector<1x16xf32> to vector<16xf32>
        %add3A_489 = arith.addf %add3A_437, %get3A_488 : vector<16xf32>
        %mul3A_490 = arith.constant 4 : i32
        %mul3A_491 = arith.muli %scan3A_304, %mul3A_490 : i32
        %add3A_492 = arith.constant 3 : i32
        %add3A_493 = arith.addi %mul3A_491, %add3A_492 : i32
        %get3A_494 = arith.constant 0 : i32
        %get3A_495 = arith.constant 0 : i32
        %get3A_496 = tpu.memref_slice %arg6[%scan3A_160, %get3A_494, %get3A_495] : memref<4x200x64xf32, #tpu.memory_space<vmem>> -> memref<1x200x64xf32, #tpu.memory_space<vmem>>
        %get3A_497 = tpu.memref_squeeze %get3A_496 : memref<1x200x64xf32, #tpu.memory_space<vmem>> -> memref<200x64xf32, #tpu.memory_space<vmem>>
        %get3A_498 = arith.index_cast %add3A_493 : i32 to index
        %get3A_499 = arith.constant 32 : index
        %get3A_500 = tpu.vector_load %get3A_497[%get3A_498, %get3A_499] {strides = array<i32>} : memref<200x64xf32, #tpu.memory_space<vmem>>, vector<1x16xf32>,
        %get3A_501 = vector.shape_cast %get3A_500 : vector<1x16xf32> to vector<16xf32>
        %add3A_502 = arith.addf %add3A_450, %get3A_501 : vector<16xf32>
        %mul3A_503 = arith.constant 4 : i32
        %mul3A_504 = arith.muli %scan3A_304, %mul3A_503 : i32
        %add3A_505 = arith.constant 3 : i32
        %add3A_506 = arith.addi %mul3A_504, %add3A_505 : i32
        %get3A_507 = arith.constant 0 : i32
        %get3A_508 = arith.constant 0 : i32
        %get3A_509 = tpu.memref_slice %arg6[%scan3A_160, %get3A_507, %get3A_508] : memref<4x200x64xf32, #tpu.memory_space<vmem>> -> memref<1x200x64xf32, #tpu.memory_space<vmem>>
        %get3A_510 = tpu.memref_squeeze %get3A_509 : memref<1x200x64xf32, #tpu.memory_space<vmem>> -> memref<200x64xf32, #tpu.memory_space<vmem>>
        %get3A_511 = arith.index_cast %add3A_506 : i32 to index
        %get3A_512 = arith.constant 48 : index
        %get3A_513 = tpu.vector_load %get3A_510[%get3A_511, %get3A_512] {strides = array<i32>} : memref<200x64xf32, #tpu.memory_space<vmem>>, vector<1x16xf32>,
        %get3A_514 = vector.shape_cast %get3A_513 : vector<1x16xf32> to vector<16xf32>
        %add3A_515 = arith.addf %add3A_463, %get3A_514 : vector<16xf32>
        scf.yield %add3A_476, %add3A_489, %add3A_502, %add3A_515 : vector<16xf32>, vector<16xf32>, vector<16xf32>, vector<16xf32>
      }
      %scan3A_166 = arith.constant 50 : i32
      %swap3A_167 = arith.index_cast %add3A_142 : i32 to index
      %swap3A_168 = arith.constant 0 : index
      %swap3A_169 = tpu.vector_load %arg7[%swap3A_167, %swap3A_168] {strides = array<i32>} : memref<128x64xf32, #tpu.memory_space<vmem>>, vector<1x16xf32>,
      %swap3A_170 = vector.shape_cast %swap3A_169 : vector<1x16xf32> to vector<16xf32>
      %swap3A_171 = vector.shape_cast %scan3A_165#0 : vector<16xf32> to vector<1x16xf32>
      tpu.vector_store %arg7[%swap3A_167, %swap3A_168], %swap3A_171 {strides = array<i32>} : memref<128x64xf32, #tpu.memory_space<vmem>>, vector<1x16xf32>,
      %swap3A_172 = arith.index_cast %add3A_142 : i32 to index
      %swap3A_173 = arith.constant 16 : index
      %swap3A_174 = tpu.vector_load %arg7[%swap3A_172, %swap3A_173] {strides = array<i32>} : memref<128x64xf32, #tpu.memory_space<vmem>>, vector<1x16xf32>,
      %swap3A_175 = vector.shape_cast %swap3A_174 : vector<1x16xf32> to vector<16xf32>
      %swap3A_176 = vector.shape_cast %scan3A_165#1 : vector<16xf32> to vector<1x16xf32>
      tpu.vector_store %arg7[%swap3A_172, %swap3A_173], %swap3A_176 {strides = array<i32>} : memref<128x64xf32, #tpu.memory_space<vmem>>, vector<1x16xf32>,
      %swap3A_177 = arith.index_cast %add3A_142 : i32 to index
      %swap3A_178 = arith.constant 32 : index
      %swap3A_179 = tpu.vector_load %arg7[%swap3A_177, %swap3A_178] {strides = array<i32>} : memref<128x64xf32, #tpu.memory_space<vmem>>, vector<1x16xf32>,
      %swap3A_180 = vector.shape_cast %swap3A_179 : vector<1x16xf32> to vector<16xf32>
      %swap3A_181 = vector.shape_cast %scan3A_165#2 : vector<16xf32> to vector<1x16xf32>
      tpu.vector_store %arg7[%swap3A_177, %swap3A_178], %swap3A_181 {strides = array<i32>} : memref<128x64xf32, #tpu.memory_space<vmem>>, vector<1x16xf32>,
      %swap3A_182 = arith.index_cast %add3A_142 : i32 to index
      %swap3A_183 = arith.constant 48 : index
      %swap3A_184 = tpu.vector_load %arg7[%swap3A_182, %swap3A_183] {strides = array<i32>} : memref<128x64xf32, #tpu.memory_space<vmem>>, vector<1x16xf32>,
      %swap3A_185 = vector.shape_cast %swap3A_184 : vector<1x16xf32> to vector<16xf32>
      %swap3A_186 = vector.shape_cast %scan3A_165#3 : vector<16xf32> to vector<1x16xf32>
      tpu.vector_store %arg7[%swap3A_182, %swap3A_183], %swap3A_186 {strides = array<i32>} : memref<128x64xf32, #tpu.memory_space<vmem>>, vector<1x16xf32>,
      %add3A_187 = arith.constant 4 : i32
      %add3A_188 = arith.addi %add3A_142, %add3A_187 : i32
      %lt3A_189 = arith.constant 128 : i32
      %lt3A_190 = arith.cmpi slt, %add3A_188, %lt3A_189 : i32
      %convert_element_type3A_191 = arith.extui %lt3A_190 : i1 to i32
      %cond3A_192 = arith.constant 0 : i32
      %cond3A_193 = arith.cmpi ne, %convert_element_type3A_191, %cond3A_192 : i32
      scf.if %cond3A_193 {
        %add3A_304 = arith.constant 4 : i32
        %add3A_305 = arith.addi %add3A_142, %add3A_304 : i32
        %mul3A_306 = arith.constant 200 : i32
        %mul3A_307 = arith.muli %add3A_305, %mul3A_306 : i32
        %dma_start3A_308 = arith.constant 1 : i32
        %dma_start3A_309 = arith.constant 0 : i32
        %dma_start3A_310 = arith.constant 0 : i32
        %dma_start3A_311 = tpu.memref_slice %arg6[%dma_start3A_308, %dma_start3A_309, %dma_start3A_310] : memref<4x200x64xf32, #tpu.memory_space<vmem>> -> memref<1x128x64xf32, #tpu.memory_space<vmem>>
        %dma_start3A_312 = tpu.memref_squeeze %dma_start3A_311 : memref<1x128x64xf32, #tpu.memory_space<vmem>> -> memref<128x64xf32, #tpu.memory_space<vmem>>
        %dma_start3A_313 = tpu.memref_slice %arg5[%mul3A_307] : memref<25600xi32, #tpu.memory_space<vmem>> -> memref<128xi32, #tpu.memory_space<vmem>>
        %dma_start3A_314 = arith.constant 0 : i32
        %dma_start3A_315 = arith.constant 0 : i32
        %dma_start3A_316 = tpu.memref_slice %arg3[%dma_start3A_314, %dma_start3A_315] : memref<1000000x64xf32, #tpu.memory_space<hbm>> -> memref<1000000x64xf32, #tpu.memory_space<hbm>>
        tpu.enqueue_indirect_dma source(%dma_start3A_316 : memref<1000000x64xf32, #tpu.memory_space<hbm>>) target(%dma_start3A_312 : memref<128x64xf32, #tpu.memory_space<vmem>>) offsets(%dma_start3A_313 : memref<128xi32, #tpu.memory_space<vmem>>) semaphore(%arg9 : memref<!tpu.dma_semaphore, #tpu.memory_space<semaphore_mem>>)
        %add3A_317 = arith.constant 128 : i32
        %add3A_318 = arith.addi %mul3A_307, %add3A_317 : i32
        %dma_start3A_319 = arith.constant 1 : i32
        %dma_start3A_320 = arith.constant 128 : i32
        %dma_start3A_321 = arith.constant 0 : i32
        %dma_start3A_322 = tpu.memref_slice %arg6[%dma_start3A_319, %dma_start3A_320, %dma_start3A_321] : memref<4x200x64xf32, #tpu.memory_space<vmem>> -> memref<1x72x64xf32, #tpu.memory_space<vmem>>
        %dma_start3A_323 = tpu.memref_squeeze %dma_start3A_322 : memref<1x72x64xf32, #tpu.memory_space<vmem>> -> memref<72x64xf32, #tpu.memory_space<vmem>>
        %dma_start3A_324 = tpu.memref_slice %arg5[%add3A_318] : memref<25600xi32, #tpu.memory_space<vmem>> -> memref<72xi32, #tpu.memory_space<vmem>>
        %dma_start3A_325 = arith.constant 0 : i32
        %dma_start3A_326 = arith.constant 0 : i32
        %dma_start3A_327 = tpu.memref_slice %arg3[%dma_start3A_325, %dma_start3A_326] : memref<1000000x64xf32, #tpu.memory_space<hbm>> -> memref<1000000x64xf32, #tpu.memory_space<hbm>>
        tpu.enqueue_indirect_dma source(%dma_start3A_327 : memref<1000000x64xf32, #tpu.memory_space<hbm>>) target(%dma_start3A_323 : memref<72x64xf32, #tpu.memory_space<vmem>>) offsets(%dma_start3A_324 : memref<72xi32, #tpu.memory_space<vmem>>) semaphore(%arg9 : memref<!tpu.dma_semaphore, #tpu.memory_space<semaphore_mem>>)
      } else {
      }
      %mul3A_194 = arith.constant 4 : i32
      %mul3A_195 = arith.muli %scan3A_89, %mul3A_194 : i32
      %add3A_196 = arith.constant 2 : i32
      %add3A_197 = arith.addi %mul3A_195, %add3A_196 : i32
      %dma_wait3A_198 = arith.constant 2 : i32
      %dma_wait3A_199 = arith.constant 0 : i32
      %dma_wait3A_200 = arith.constant 0 : i32
      %dma_wait3A_201 = tpu.memref_slice %arg6[%dma_wait3A_198, %dma_wait3A_199, %dma_wait3A_200] : memref<4x200x64xf32, #tpu.memory_space<vmem>> -> memref<1x200x64xf32, #tpu.memory_space<vmem>>
      %dma_wait3A_202 = tpu.memref_squeeze %dma_wait3A_201 : memref<1x200x64xf32, #tpu.memory_space<vmem>> -> memref<200x64xf32, #tpu.memory_space<vmem>>
      %dma_wait3A_203 = arith.constant 0 : i32
      %dma_wait3A_204 = arith.constant 0 : i32
      %dma_wait3A_205 = tpu.memref_slice %arg3[%dma_wait3A_203, %dma_wait3A_204] : memref<1000000x64xf32, #tpu.memory_space<hbm>> -> memref<200x64xf32, #tpu.memory_space<hbm>>
      %dma_wait3A_206 = arith.constant 0 : i32
      %dma_wait3A_207 = arith.constant 0 : i32
      %dma_wait3A_208 = tpu.memref_slice %arg6[%dma_wait3A_198, %dma_wait3A_206, %dma_wait3A_207] : memref<4x200x64xf32, #tpu.memory_space<vmem>> -> memref<1x200x64xf32, #tpu.memory_space<vmem>>
      %dma_wait3A_209 = tpu.memref_squeeze %dma_wait3A_208 : memref<1x200x64xf32, #tpu.memory_space<vmem>> -> memref<200x64xf32, #tpu.memory_space<vmem>>
      %dma_wait3A_210 = arith.constant 0 : i32
      %dma_wait3A_211 = arith.constant 0 : i32
      %dma_wait3A_212 = tpu.memref_slice %arg3[%dma_wait3A_210, %dma_wait3A_211] : memref<1000000x64xf32, #tpu.memory_space<hbm>> -> memref<200x64xf32, #tpu.memory_space<hbm>>
      tpu.wait_dma2 semaphore(%arg10 : memref<!tpu.dma_semaphore, #tpu.memory_space<semaphore_mem>>) src(%dma_wait3A_212 : memref<200x64xf32, #tpu.memory_space<hbm>>) dst(%dma_wait3A_209 : memref<200x64xf32, #tpu.memory_space<vmem>>)
      %broadcast_in_dim3A_213 = arith.constant 0.000000e+00 : f32
      %broadcast_in_dim3A_214 = vector.broadcast %broadcast_in_dim3A_213 : f32 to vector<16xf32>
      %scan3A_215 = arith.constant 2 : i32
      %scan3A_216 = arith.constant 0 : i32
      %scan3A_217 = arith.constant 50 : i32
      %scan3A_218 = arith.addi %scan3A_216, %scan3A_217 : i32
      %scan3A_219 = arith.constant 1 : i32
      %scan3A_220:4 = scf.for %scan3A_304 = %scan3A_216 to %scan3A_218 step %scan3A_219 iter_args(%scan3A_305 = %broadcast_in_dim3A_214, %scan3A_306 = %broadcast_in_dim3A_214, %scan3A_307 = %broadcast_in_dim3A_214, %scan3A_308 = %broadcast_in_dim3A_214) -> (vector<16xf32>, vector<16xf32>, vector<16xf32>, vector<16xf32>)  : i32 {
        %mul3A_309 = arith.constant 4 : i32
        %mul3A_310 = arith.muli %scan3A_304, %mul3A_309 : i32
        %add3A_311 = arith.constant 0 : i32
        %add3A_312 = arith.addi %mul3A_310, %add3A_311 : i32
        %get3A = arith.constant 0 : i32
        %get3A_313 = arith.constant 0 : i32
        %get3A_314 = tpu.memref_slice %arg6[%scan3A_215, %get3A, %get3A_313] : memref<4x200x64xf32, #tpu.memory_space<vmem>> -> memref<1x200x64xf32, #tpu.memory_space<vmem>>
        %get3A_315 = tpu.memref_squeeze %get3A_314 : memref<1x200x64xf32, #tpu.memory_space<vmem>> -> memref<200x64xf32, #tpu.memory_space<vmem>>
        %get3A_316 = arith.index_cast %add3A_312 : i32 to index
        %get3A_317 = arith.constant 0 : index
        %get3A_318 = tpu.vector_load %get3A_315[%get3A_316, %get3A_317] {strides = array<i32>} : memref<200x64xf32, #tpu.memory_space<vmem>>, vector<1x16xf32>,
        %get3A_319 = vector.shape_cast %get3A_318 : vector<1x16xf32> to vector<16xf32>
        %add3A_320 = arith.addf %scan3A_305, %get3A_319 : vector<16xf32>
        %mul3A_321 = arith.constant 4 : i32
        %mul3A_322 = arith.muli %scan3A_304, %mul3A_321 : i32
        %add3A_323 = arith.constant 0 : i32
        %add3A_324 = arith.addi %mul3A_322, %add3A_323 : i32
        %get3A_325 = arith.constant 0 : i32
        %get3A_326 = arith.constant 0 : i32
        %get3A_327 = tpu.memref_slice %arg6[%scan3A_215, %get3A_325, %get3A_326] : memref<4x200x64xf32, #tpu.memory_space<vmem>> -> memref<1x200x64xf32, #tpu.memory_space<vmem>>
        %get3A_328 = tpu.memref_squeeze %get3A_327 : memref<1x200x64xf32, #tpu.memory_space<vmem>> -> memref<200x64xf32, #tpu.memory_space<vmem>>
        %get3A_329 = arith.index_cast %add3A_324 : i32 to index
        %get3A_330 = arith.constant 16 : index
        %get3A_331 = tpu.vector_load %get3A_328[%get3A_329, %get3A_330] {strides = array<i32>} : memref<200x64xf32, #tpu.memory_space<vmem>>, vector<1x16xf32>,
        %get3A_332 = vector.shape_cast %get3A_331 : vector<1x16xf32> to vector<16xf32>
        %add3A_333 = arith.addf %scan3A_306, %get3A_332 : vector<16xf32>
        %mul3A_334 = arith.constant 4 : i32
        %mul3A_335 = arith.muli %scan3A_304, %mul3A_334 : i32
        %add3A_336 = arith.constant 0 : i32
        %add3A_337 = arith.addi %mul3A_335, %add3A_336 : i32
        %get3A_338 = arith.constant 0 : i32
        %get3A_339 = arith.constant 0 : i32
        %get3A_340 = tpu.memref_slice %arg6[%scan3A_215, %get3A_338, %get3A_339] : memref<4x200x64xf32, #tpu.memory_space<vmem>> -> memref<1x200x64xf32, #tpu.memory_space<vmem>>
        %get3A_341 = tpu.memref_squeeze %get3A_340 : memref<1x200x64xf32, #tpu.memory_space<vmem>> -> memref<200x64xf32, #tpu.memory_space<vmem>>
        %get3A_342 = arith.index_cast %add3A_337 : i32 to index
        %get3A_343 = arith.constant 32 : index
        %get3A_344 = tpu.vector_load %get3A_341[%get3A_342, %get3A_343] {strides = array<i32>} : memref<200x64xf32, #tpu.memory_space<vmem>>, vector<1x16xf32>,
        %get3A_345 = vector.shape_cast %get3A_344 : vector<1x16xf32> to vector<16xf32>
        %add3A_346 = arith.addf %scan3A_307, %get3A_345 : vector<16xf32>
        %mul3A_347 = arith.constant 4 : i32
        %mul3A_348 = arith.muli %scan3A_304, %mul3A_347 : i32
        %add3A_349 = arith.constant 0 : i32
        %add3A_350 = arith.addi %mul3A_348, %add3A_349 : i32
        %get3A_351 = arith.constant 0 : i32
        %get3A_352 = arith.constant 0 : i32
        %get3A_353 = tpu.memref_slice %arg6[%scan3A_215, %get3A_351, %get3A_352] : memref<4x200x64xf32, #tpu.memory_space<vmem>> -> memref<1x200x64xf32, #tpu.memory_space<vmem>>
        %get3A_354 = tpu.memref_squeeze %get3A_353 : memref<1x200x64xf32, #tpu.memory_space<vmem>> -> memref<200x64xf32, #tpu.memory_space<vmem>>
        %get3A_355 = arith.index_cast %add3A_350 : i32 to index
        %get3A_356 = arith.constant 48 : index
        %get3A_357 = tpu.vector_load %get3A_354[%get3A_355, %get3A_356] {strides = array<i32>} : memref<200x64xf32, #tpu.memory_space<vmem>>, vector<1x16xf32>,
        %get3A_358 = vector.shape_cast %get3A_357 : vector<1x16xf32> to vector<16xf32>
        %add3A_359 = arith.addf %scan3A_308, %get3A_358 : vector<16xf32>
        %mul3A_360 = arith.constant 4 : i32
        %mul3A_361 = arith.muli %scan3A_304, %mul3A_360 : i32
        %add3A_362 = arith.constant 1 : i32
        %add3A_363 = arith.addi %mul3A_361, %add3A_362 : i32
        %get3A_364 = arith.constant 0 : i32
        %get3A_365 = arith.constant 0 : i32
        %get3A_366 = tpu.memref_slice %arg6[%scan3A_215, %get3A_364, %get3A_365] : memref<4x200x64xf32, #tpu.memory_space<vmem>> -> memref<1x200x64xf32, #tpu.memory_space<vmem>>
        %get3A_367 = tpu.memref_squeeze %get3A_366 : memref<1x200x64xf32, #tpu.memory_space<vmem>> -> memref<200x64xf32, #tpu.memory_space<vmem>>
        %get3A_368 = arith.index_cast %add3A_363 : i32 to index
        %get3A_369 = arith.constant 0 : index
        %get3A_370 = tpu.vector_load %get3A_367[%get3A_368, %get3A_369] {strides = array<i32>} : memref<200x64xf32, #tpu.memory_space<vmem>>, vector<1x16xf32>,
        %get3A_371 = vector.shape_cast %get3A_370 : vector<1x16xf32> to vector<16xf32>
        %add3A_372 = arith.addf %add3A_320, %get3A_371 : vector<16xf32>
        %mul3A_373 = arith.constant 4 : i32
        %mul3A_374 = arith.muli %scan3A_304, %mul3A_373 : i32
        %add3A_375 = arith.constant 1 : i32
        %add3A_376 = arith.addi %mul3A_374, %add3A_375 : i32
        %get3A_377 = arith.constant 0 : i32
        %get3A_378 = arith.constant 0 : i32
        %get3A_379 = tpu.memref_slice %arg6[%scan3A_215, %get3A_377, %get3A_378] : memref<4x200x64xf32, #tpu.memory_space<vmem>> -> memref<1x200x64xf32, #tpu.memory_space<vmem>>
        %get3A_380 = tpu.memref_squeeze %get3A_379 : memref<1x200x64xf32, #tpu.memory_space<vmem>> -> memref<200x64xf32, #tpu.memory_space<vmem>>
        %get3A_381 = arith.index_cast %add3A_376 : i32 to index
        %get3A_382 = arith.constant 16 : index
        %get3A_383 = tpu.vector_load %get3A_380[%get3A_381, %get3A_382] {strides = array<i32>} : memref<200x64xf32, #tpu.memory_space<vmem>>, vector<1x16xf32>,
        %get3A_384 = vector.shape_cast %get3A_383 : vector<1x16xf32> to vector<16xf32>
        %add3A_385 = arith.addf %add3A_333, %get3A_384 : vector<16xf32>
        %mul3A_386 = arith.constant 4 : i32
        %mul3A_387 = arith.muli %scan3A_304, %mul3A_386 : i32
        %add3A_388 = arith.constant 1 : i32
        %add3A_389 = arith.addi %mul3A_387, %add3A_388 : i32
        %get3A_390 = arith.constant 0 : i32
        %get3A_391 = arith.constant 0 : i32
        %get3A_392 = tpu.memref_slice %arg6[%scan3A_215, %get3A_390, %get3A_391] : memref<4x200x64xf32, #tpu.memory_space<vmem>> -> memref<1x200x64xf32, #tpu.memory_space<vmem>>
        %get3A_393 = tpu.memref_squeeze %get3A_392 : memref<1x200x64xf32, #tpu.memory_space<vmem>> -> memref<200x64xf32, #tpu.memory_space<vmem>>
        %get3A_394 = arith.index_cast %add3A_389 : i32 to index
        %get3A_395 = arith.constant 32 : index
        %get3A_396 = tpu.vector_load %get3A_393[%get3A_394, %get3A_395] {strides = array<i32>} : memref<200x64xf32, #tpu.memory_space<vmem>>, vector<1x16xf32>,
        %get3A_397 = vector.shape_cast %get3A_396 : vector<1x16xf32> to vector<16xf32>
        %add3A_398 = arith.addf %add3A_346, %get3A_397 : vector<16xf32>
        %mul3A_399 = arith.constant 4 : i32
        %mul3A_400 = arith.muli %scan3A_304, %mul3A_399 : i32
        %add3A_401 = arith.constant 1 : i32
        %add3A_402 = arith.addi %mul3A_400, %add3A_401 : i32
        %get3A_403 = arith.constant 0 : i32
        %get3A_404 = arith.constant 0 : i32
        %get3A_405 = tpu.memref_slice %arg6[%scan3A_215, %get3A_403, %get3A_404] : memref<4x200x64xf32, #tpu.memory_space<vmem>> -> memref<1x200x64xf32, #tpu.memory_space<vmem>>
        %get3A_406 = tpu.memref_squeeze %get3A_405 : memref<1x200x64xf32, #tpu.memory_space<vmem>> -> memref<200x64xf32, #tpu.memory_space<vmem>>
        %get3A_407 = arith.index_cast %add3A_402 : i32 to index
        %get3A_408 = arith.constant 48 : index
        %get3A_409 = tpu.vector_load %get3A_406[%get3A_407, %get3A_408] {strides = array<i32>} : memref<200x64xf32, #tpu.memory_space<vmem>>, vector<1x16xf32>,
        %get3A_410 = vector.shape_cast %get3A_409 : vector<1x16xf32> to vector<16xf32>
        %add3A_411 = arith.addf %add3A_359, %get3A_410 : vector<16xf32>
        %mul3A_412 = arith.constant 4 : i32
        %mul3A_413 = arith.muli %scan3A_304, %mul3A_412 : i32
        %add3A_414 = arith.constant 2 : i32
        %add3A_415 = arith.addi %mul3A_413, %add3A_414 : i32
        %get3A_416 = arith.constant 0 : i32
        %get3A_417 = arith.constant 0 : i32
        %get3A_418 = tpu.memref_slice %arg6[%scan3A_215, %get3A_416, %get3A_417] : memref<4x200x64xf32, #tpu.memory_space<vmem>> -> memref<1x200x64xf32, #tpu.memory_space<vmem>>
        %get3A_419 = tpu.memref_squeeze %get3A_418 : memref<1x200x64xf32, #tpu.memory_space<vmem>> -> memref<200x64xf32, #tpu.memory_space<vmem>>
        %get3A_420 = arith.index_cast %add3A_415 : i32 to index
        %get3A_421 = arith.constant 0 : index
        %get3A_422 = tpu.vector_load %get3A_419[%get3A_420, %get3A_421] {strides = array<i32>} : memref<200x64xf32, #tpu.memory_space<vmem>>, vector<1x16xf32>,
        %get3A_423 = vector.shape_cast %get3A_422 : vector<1x16xf32> to vector<16xf32>
        %add3A_424 = arith.addf %add3A_372, %get3A_423 : vector<16xf32>
        %mul3A_425 = arith.constant 4 : i32
        %mul3A_426 = arith.muli %scan3A_304, %mul3A_425 : i32
        %add3A_427 = arith.constant 2 : i32
        %add3A_428 = arith.addi %mul3A_426, %add3A_427 : i32
        %get3A_429 = arith.constant 0 : i32
        %get3A_430 = arith.constant 0 : i32
        %get3A_431 = tpu.memref_slice %arg6[%scan3A_215, %get3A_429, %get3A_430] : memref<4x200x64xf32, #tpu.memory_space<vmem>> -> memref<1x200x64xf32, #tpu.memory_space<vmem>>
        %get3A_432 = tpu.memref_squeeze %get3A_431 : memref<1x200x64xf32, #tpu.memory_space<vmem>> -> memref<200x64xf32, #tpu.memory_space<vmem>>
        %get3A_433 = arith.index_cast %add3A_428 : i32 to index
        %get3A_434 = arith.constant 16 : index
        %get3A_435 = tpu.vector_load %get3A_432[%get3A_433, %get3A_434] {strides = array<i32>} : memref<200x64xf32, #tpu.memory_space<vmem>>, vector<1x16xf32>,
        %get3A_436 = vector.shape_cast %get3A_435 : vector<1x16xf32> to vector<16xf32>
        %add3A_437 = arith.addf %add3A_385, %get3A_436 : vector<16xf32>
        %mul3A_438 = arith.constant 4 : i32
        %mul3A_439 = arith.muli %scan3A_304, %mul3A_438 : i32
        %add3A_440 = arith.constant 2 : i32
        %add3A_441 = arith.addi %mul3A_439, %add3A_440 : i32
        %get3A_442 = arith.constant 0 : i32
        %get3A_443 = arith.constant 0 : i32
        %get3A_444 = tpu.memref_slice %arg6[%scan3A_215, %get3A_442, %get3A_443] : memref<4x200x64xf32, #tpu.memory_space<vmem>> -> memref<1x200x64xf32, #tpu.memory_space<vmem>>
        %get3A_445 = tpu.memref_squeeze %get3A_444 : memref<1x200x64xf32, #tpu.memory_space<vmem>> -> memref<200x64xf32, #tpu.memory_space<vmem>>
        %get3A_446 = arith.index_cast %add3A_441 : i32 to index
        %get3A_447 = arith.constant 32 : index
        %get3A_448 = tpu.vector_load %get3A_445[%get3A_446, %get3A_447] {strides = array<i32>} : memref<200x64xf32, #tpu.memory_space<vmem>>, vector<1x16xf32>,
        %get3A_449 = vector.shape_cast %get3A_448 : vector<1x16xf32> to vector<16xf32>
        %add3A_450 = arith.addf %add3A_398, %get3A_449 : vector<16xf32>
        %mul3A_451 = arith.constant 4 : i32
        %mul3A_452 = arith.muli %scan3A_304, %mul3A_451 : i32
        %add3A_453 = arith.constant 2 : i32
        %add3A_454 = arith.addi %mul3A_452, %add3A_453 : i32
        %get3A_455 = arith.constant 0 : i32
        %get3A_456 = arith.constant 0 : i32
        %get3A_457 = tpu.memref_slice %arg6[%scan3A_215, %get3A_455, %get3A_456] : memref<4x200x64xf32, #tpu.memory_space<vmem>> -> memref<1x200x64xf32, #tpu.memory_space<vmem>>
        %get3A_458 = tpu.memref_squeeze %get3A_457 : memref<1x200x64xf32, #tpu.memory_space<vmem>> -> memref<200x64xf32, #tpu.memory_space<vmem>>
        %get3A_459 = arith.index_cast %add3A_454 : i32 to index
        %get3A_460 = arith.constant 48 : index
        %get3A_461 = tpu.vector_load %get3A_458[%get3A_459, %get3A_460] {strides = array<i32>} : memref<200x64xf32, #tpu.memory_space<vmem>>, vector<1x16xf32>,
        %get3A_462 = vector.shape_cast %get3A_461 : vector<1x16xf32> to vector<16xf32>
        %add3A_463 = arith.addf %add3A_411, %get3A_462 : vector<16xf32>
        %mul3A_464 = arith.constant 4 : i32
        %mul3A_465 = arith.muli %scan3A_304, %mul3A_464 : i32
        %add3A_466 = arith.constant 3 : i32
        %add3A_467 = arith.addi %mul3A_465, %add3A_466 : i32
        %get3A_468 = arith.constant 0 : i32
        %get3A_469 = arith.constant 0 : i32
        %get3A_470 = tpu.memref_slice %arg6[%scan3A_215, %get3A_468, %get3A_469] : memref<4x200x64xf32, #tpu.memory_space<vmem>> -> memref<1x200x64xf32, #tpu.memory_space<vmem>>
        %get3A_471 = tpu.memref_squeeze %get3A_470 : memref<1x200x64xf32, #tpu.memory_space<vmem>> -> memref<200x64xf32, #tpu.memory_space<vmem>>
        %get3A_472 = arith.index_cast %add3A_467 : i32 to index
        %get3A_473 = arith.constant 0 : index
        %get3A_474 = tpu.vector_load %get3A_471[%get3A_472, %get3A_473] {strides = array<i32>} : memref<200x64xf32, #tpu.memory_space<vmem>>, vector<1x16xf32>,
        %get3A_475 = vector.shape_cast %get3A_474 : vector<1x16xf32> to vector<16xf32>
        %add3A_476 = arith.addf %add3A_424, %get3A_475 : vector<16xf32>
        %mul3A_477 = arith.constant 4 : i32
        %mul3A_478 = arith.muli %scan3A_304, %mul3A_477 : i32
        %add3A_479 = arith.constant 3 : i32
        %add3A_480 = arith.addi %mul3A_478, %add3A_479 : i32
        %get3A_481 = arith.constant 0 : i32
        %get3A_482 = arith.constant 0 : i32
        %get3A_483 = tpu.memref_slice %arg6[%scan3A_215, %get3A_481, %get3A_482] : memref<4x200x64xf32, #tpu.memory_space<vmem>> -> memref<1x200x64xf32, #tpu.memory_space<vmem>>
        %get3A_484 = tpu.memref_squeeze %get3A_483 : memref<1x200x64xf32, #tpu.memory_space<vmem>> -> memref<200x64xf32, #tpu.memory_space<vmem>>
        %get3A_485 = arith.index_cast %add3A_480 : i32 to index
        %get3A_486 = arith.constant 16 : index
        %get3A_487 = tpu.vector_load %get3A_484[%get3A_485, %get3A_486] {strides = array<i32>} : memref<200x64xf32, #tpu.memory_space<vmem>>, vector<1x16xf32>,
        %get3A_488 = vector.shape_cast %get3A_487 : vector<1x16xf32> to vector<16xf32>
        %add3A_489 = arith.addf %add3A_437, %get3A_488 : vector<16xf32>
        %mul3A_490 = arith.constant 4 : i32
        %mul3A_491 = arith.muli %scan3A_304, %mul3A_490 : i32
        %add3A_492 = arith.constant 3 : i32
        %add3A_493 = arith.addi %mul3A_491, %add3A_492 : i32
        %get3A_494 = arith.constant 0 : i32
        %get3A_495 = arith.constant 0 : i32
        %get3A_496 = tpu.memref_slice %arg6[%scan3A_215, %get3A_494, %get3A_495] : memref<4x200x64xf32, #tpu.memory_space<vmem>> -> memref<1x200x64xf32, #tpu.memory_space<vmem>>
        %get3A_497 = tpu.memref_squeeze %get3A_496 : memref<1x200x64xf32, #tpu.memory_space<vmem>> -> memref<200x64xf32, #tpu.memory_space<vmem>>
        %get3A_498 = arith.index_cast %add3A_493 : i32 to index
        %get3A_499 = arith.constant 32 : index
        %get3A_500 = tpu.vector_load %get3A_497[%get3A_498, %get3A_499] {strides = array<i32>} : memref<200x64xf32, #tpu.memory_space<vmem>>, vector<1x16xf32>,
        %get3A_501 = vector.shape_cast %get3A_500 : vector<1x16xf32> to vector<16xf32>
        %add3A_502 = arith.addf %add3A_450, %get3A_501 : vector<16xf32>
        %mul3A_503 = arith.constant 4 : i32
        %mul3A_504 = arith.muli %scan3A_304, %mul3A_503 : i32
        %add3A_505 = arith.constant 3 : i32
        %add3A_506 = arith.addi %mul3A_504, %add3A_505 : i32
        %get3A_507 = arith.constant 0 : i32
        %get3A_508 = arith.constant 0 : i32
        %get3A_509 = tpu.memref_slice %arg6[%scan3A_215, %get3A_507, %get3A_508] : memref<4x200x64xf32, #tpu.memory_space<vmem>> -> memref<1x200x64xf32, #tpu.memory_space<vmem>>
        %get3A_510 = tpu.memref_squeeze %get3A_509 : memref<1x200x64xf32, #tpu.memory_space<vmem>> -> memref<200x64xf32, #tpu.memory_space<vmem>>
        %get3A_511 = arith.index_cast %add3A_506 : i32 to index
        %get3A_512 = arith.constant 48 : index
        %get3A_513 = tpu.vector_load %get3A_510[%get3A_511, %get3A_512] {strides = array<i32>} : memref<200x64xf32, #tpu.memory_space<vmem>>, vector<1x16xf32>,
        %get3A_514 = vector.shape_cast %get3A_513 : vector<1x16xf32> to vector<16xf32>
        %add3A_515 = arith.addf %add3A_463, %get3A_514 : vector<16xf32>
        scf.yield %add3A_476, %add3A_489, %add3A_502, %add3A_515 : vector<16xf32>, vector<16xf32>, vector<16xf32>, vector<16xf32>
      }
      %scan3A_221 = arith.constant 50 : i32
      %swap3A_222 = arith.index_cast %add3A_197 : i32 to index
      %swap3A_223 = arith.constant 0 : index
      %swap3A_224 = tpu.vector_load %arg7[%swap3A_222, %swap3A_223] {strides = array<i32>} : memref<128x64xf32, #tpu.memory_space<vmem>>, vector<1x16xf32>,
      %swap3A_225 = vector.shape_cast %swap3A_224 : vector<1x16xf32> to vector<16xf32>
      %swap3A_226 = vector.shape_cast %scan3A_220#0 : vector<16xf32> to vector<1x16xf32>
      tpu.vector_store %arg7[%swap3A_222, %swap3A_223], %swap3A_226 {strides = array<i32>} : memref<128x64xf32, #tpu.memory_space<vmem>>, vector<1x16xf32>,
      %swap3A_227 = arith.index_cast %add3A_197 : i32 to index
      %swap3A_228 = arith.constant 16 : index
      %swap3A_229 = tpu.vector_load %arg7[%swap3A_227, %swap3A_228] {strides = array<i32>} : memref<128x64xf32, #tpu.memory_space<vmem>>, vector<1x16xf32>,
      %swap3A_230 = vector.shape_cast %swap3A_229 : vector<1x16xf32> to vector<16xf32>
      %swap3A_231 = vector.shape_cast %scan3A_220#1 : vector<16xf32> to vector<1x16xf32>
      tpu.vector_store %arg7[%swap3A_227, %swap3A_228], %swap3A_231 {strides = array<i32>} : memref<128x64xf32, #tpu.memory_space<vmem>>, vector<1x16xf32>,
      %swap3A_232 = arith.index_cast %add3A_197 : i32 to index
      %swap3A_233 = arith.constant 32 : index
      %swap3A_234 = tpu.vector_load %arg7[%swap3A_232, %swap3A_233] {strides = array<i32>} : memref<128x64xf32, #tpu.memory_space<vmem>>, vector<1x16xf32>,
      %swap3A_235 = vector.shape_cast %swap3A_234 : vector<1x16xf32> to vector<16xf32>
      %swap3A_236 = vector.shape_cast %scan3A_220#2 : vector<16xf32> to vector<1x16xf32>
      tpu.vector_store %arg7[%swap3A_232, %swap3A_233], %swap3A_236 {strides = array<i32>} : memref<128x64xf32, #tpu.memory_space<vmem>>, vector<1x16xf32>,
      %swap3A_237 = arith.index_cast %add3A_197 : i32 to index
      %swap3A_238 = arith.constant 48 : index
      %swap3A_239 = tpu.vector_load %arg7[%swap3A_237, %swap3A_238] {strides = array<i32>} : memref<128x64xf32, #tpu.memory_space<vmem>>, vector<1x16xf32>,
      %swap3A_240 = vector.shape_cast %swap3A_239 : vector<1x16xf32> to vector<16xf32>
      %swap3A_241 = vector.shape_cast %scan3A_220#3 : vector<16xf32> to vector<1x16xf32>
      tpu.vector_store %arg7[%swap3A_237, %swap3A_238], %swap3A_241 {strides = array<i32>} : memref<128x64xf32, #tpu.memory_space<vmem>>, vector<1x16xf32>,
      %add3A_242 = arith.constant 4 : i32
      %add3A_243 = arith.addi %add3A_197, %add3A_242 : i32
      %lt3A_244 = arith.constant 128 : i32
      %lt3A_245 = arith.cmpi slt, %add3A_243, %lt3A_244 : i32
      %convert_element_type3A_246 = arith.extui %lt3A_245 : i1 to i32
      %cond3A_247 = arith.constant 0 : i32
      %cond3A_248 = arith.cmpi ne, %convert_element_type3A_246, %cond3A_247 : i32
      scf.if %cond3A_248 {
        %add3A_304 = arith.constant 4 : i32
        %add3A_305 = arith.addi %add3A_197, %add3A_304 : i32
        %mul3A_306 = arith.constant 200 : i32
        %mul3A_307 = arith.muli %add3A_305, %mul3A_306 : i32
        %dma_start3A_308 = arith.constant 2 : i32
        %dma_start3A_309 = arith.constant 0 : i32
        %dma_start3A_310 = arith.constant 0 : i32
        %dma_start3A_311 = tpu.memref_slice %arg6[%dma_start3A_308, %dma_start3A_309, %dma_start3A_310] : memref<4x200x64xf32, #tpu.memory_space<vmem>> -> memref<1x128x64xf32, #tpu.memory_space<vmem>>
        %dma_start3A_312 = tpu.memref_squeeze %dma_start3A_311 : memref<1x128x64xf32, #tpu.memory_space<vmem>> -> memref<128x64xf32, #tpu.memory_space<vmem>>
        %dma_start3A_313 = tpu.memref_slice %arg5[%mul3A_307] : memref<25600xi32, #tpu.memory_space<vmem>> -> memref<128xi32, #tpu.memory_space<vmem>>
        %dma_start3A_314 = arith.constant 0 : i32
        %dma_start3A_315 = arith.constant 0 : i32
        %dma_start3A_316 = tpu.memref_slice %arg3[%dma_start3A_314, %dma_start3A_315] : memref<1000000x64xf32, #tpu.memory_space<hbm>> -> memref<1000000x64xf32, #tpu.memory_space<hbm>>
        tpu.enqueue_indirect_dma source(%dma_start3A_316 : memref<1000000x64xf32, #tpu.memory_space<hbm>>) target(%dma_start3A_312 : memref<128x64xf32, #tpu.memory_space<vmem>>) offsets(%dma_start3A_313 : memref<128xi32, #tpu.memory_space<vmem>>) semaphore(%arg10 : memref<!tpu.dma_semaphore, #tpu.memory_space<semaphore_mem>>)
        %add3A_317 = arith.constant 128 : i32
        %add3A_318 = arith.addi %mul3A_307, %add3A_317 : i32
        %dma_start3A_319 = arith.constant 2 : i32
        %dma_start3A_320 = arith.constant 128 : i32
        %dma_start3A_321 = arith.constant 0 : i32
        %dma_start3A_322 = tpu.memref_slice %arg6[%dma_start3A_319, %dma_start3A_320, %dma_start3A_321] : memref<4x200x64xf32, #tpu.memory_space<vmem>> -> memref<1x72x64xf32, #tpu.memory_space<vmem>>
        %dma_start3A_323 = tpu.memref_squeeze %dma_start3A_322 : memref<1x72x64xf32, #tpu.memory_space<vmem>> -> memref<72x64xf32, #tpu.memory_space<vmem>>
        %dma_start3A_324 = tpu.memref_slice %arg5[%add3A_318] : memref<25600xi32, #tpu.memory_space<vmem>> -> memref<72xi32, #tpu.memory_space<vmem>>
        %dma_start3A_325 = arith.constant 0 : i32
        %dma_start3A_326 = arith.constant 0 : i32
        %dma_start3A_327 = tpu.memref_slice %arg3[%dma_start3A_325, %dma_start3A_326] : memref<1000000x64xf32, #tpu.memory_space<hbm>> -> memref<1000000x64xf32, #tpu.memory_space<hbm>>
        tpu.enqueue_indirect_dma source(%dma_start3A_327 : memref<1000000x64xf32, #tpu.memory_space<hbm>>) target(%dma_start3A_323 : memref<72x64xf32, #tpu.memory_space<vmem>>) offsets(%dma_start3A_324 : memref<72xi32, #tpu.memory_space<vmem>>) semaphore(%arg10 : memref<!tpu.dma_semaphore, #tpu.memory_space<semaphore_mem>>)
      } else {
      }
      %mul3A_249 = arith.constant 4 : i32
      %mul3A_250 = arith.muli %scan3A_89, %mul3A_249 : i32
      %add3A_251 = arith.constant 3 : i32
      %add3A_252 = arith.addi %mul3A_250, %add3A_251 : i32
      %dma_wait3A_253 = arith.constant 3 : i32
      %dma_wait3A_254 = arith.constant 0 : i32
      %dma_wait3A_255 = arith.constant 0 : i32
      %dma_wait3A_256 = tpu.memref_slice %arg6[%dma_wait3A_253, %dma_wait3A_254, %dma_wait3A_255] : memref<4x200x64xf32, #tpu.memory_space<vmem>> -> memref<1x200x64xf32, #tpu.memory_space<vmem>>
      %dma_wait3A_257 = tpu.memref_squeeze %dma_wait3A_256 : memref<1x200x64xf32, #tpu.memory_space<vmem>> -> memref<200x64xf32, #tpu.memory_space<vmem>>
      %dma_wait3A_258 = arith.constant 0 : i32
      %dma_wait3A_259 = arith.constant 0 : i32
      %dma_wait3A_260 = tpu.memref_slice %arg3[%dma_wait3A_258, %dma_wait3A_259] : memref<1000000x64xf32, #tpu.memory_space<hbm>> -> memref<200x64xf32, #tpu.memory_space<hbm>>
      %dma_wait3A_261 = arith.constant 0 : i32
      %dma_wait3A_262 = arith.constant 0 : i32
      %dma_wait3A_263 = tpu.memref_slice %arg6[%dma_wait3A_253, %dma_wait3A_261, %dma_wait3A_262] : memref<4x200x64xf32, #tpu.memory_space<vmem>> -> memref<1x200x64xf32, #tpu.memory_space<vmem>>
      %dma_wait3A_264 = tpu.memref_squeeze %dma_wait3A_263 : memref<1x200x64xf32, #tpu.memory_space<vmem>> -> memref<200x64xf32, #tpu.memory_space<vmem>>
      %dma_wait3A_265 = arith.constant 0 : i32
      %dma_wait3A_266 = arith.constant 0 : i32
      %dma_wait3A_267 = tpu.memref_slice %arg3[%dma_wait3A_265, %dma_wait3A_266] : memref<1000000x64xf32, #tpu.memory_space<hbm>> -> memref<200x64xf32, #tpu.memory_space<hbm>>
      tpu.wait_dma2 semaphore(%arg11 : memref<!tpu.dma_semaphore, #tpu.memory_space<semaphore_mem>>) src(%dma_wait3A_267 : memref<200x64xf32, #tpu.memory_space<hbm>>) dst(%dma_wait3A_264 : memref<200x64xf32, #tpu.memory_space<vmem>>)
      %broadcast_in_dim3A_268 = arith.constant 0.000000e+00 : f32
      %broadcast_in_dim3A_269 = vector.broadcast %broadcast_in_dim3A_268 : f32 to vector<16xf32>
      %scan3A_270 = arith.constant 3 : i32
      %scan3A_271 = arith.constant 0 : i32
      %scan3A_272 = arith.constant 50 : i32
      %scan3A_273 = arith.addi %scan3A_271, %scan3A_272 : i32
      %scan3A_274 = arith.constant 1 : i32
      %scan3A_275:4 = scf.for %scan3A_304 = %scan3A_271 to %scan3A_273 step %scan3A_274 iter_args(%scan3A_305 = %broadcast_in_dim3A_269, %scan3A_306 = %broadcast_in_dim3A_269, %scan3A_307 = %broadcast_in_dim3A_269, %scan3A_308 = %broadcast_in_dim3A_269) -> (vector<16xf32>, vector<16xf32>, vector<16xf32>, vector<16xf32>)  : i32 {
        %mul3A_309 = arith.constant 4 : i32
        %mul3A_310 = arith.muli %scan3A_304, %mul3A_309 : i32
        %add3A_311 = arith.constant 0 : i32
        %add3A_312 = arith.addi %mul3A_310, %add3A_311 : i32
        %get3A = arith.constant 0 : i32
        %get3A_313 = arith.constant 0 : i32
        %get3A_314 = tpu.memref_slice %arg6[%scan3A_270, %get3A, %get3A_313] : memref<4x200x64xf32, #tpu.memory_space<vmem>> -> memref<1x200x64xf32, #tpu.memory_space<vmem>>
        %get3A_315 = tpu.memref_squeeze %get3A_314 : memref<1x200x64xf32, #tpu.memory_space<vmem>> -> memref<200x64xf32, #tpu.memory_space<vmem>>
        %get3A_316 = arith.index_cast %add3A_312 : i32 to index
        %get3A_317 = arith.constant 0 : index
        %get3A_318 = tpu.vector_load %get3A_315[%get3A_316, %get3A_317] {strides = array<i32>} : memref<200x64xf32, #tpu.memory_space<vmem>>, vector<1x16xf32>,
        %get3A_319 = vector.shape_cast %get3A_318 : vector<1x16xf32> to vector<16xf32>
        %add3A_320 = arith.addf %scan3A_305, %get3A_319 : vector<16xf32>
        %mul3A_321 = arith.constant 4 : i32
        %mul3A_322 = arith.muli %scan3A_304, %mul3A_321 : i32
        %add3A_323 = arith.constant 0 : i32
        %add3A_324 = arith.addi %mul3A_322, %add3A_323 : i32
        %get3A_325 = arith.constant 0 : i32
        %get3A_326 = arith.constant 0 : i32
        %get3A_327 = tpu.memref_slice %arg6[%scan3A_270, %get3A_325, %get3A_326] : memref<4x200x64xf32, #tpu.memory_space<vmem>> -> memref<1x200x64xf32, #tpu.memory_space<vmem>>
        %get3A_328 = tpu.memref_squeeze %get3A_327 : memref<1x200x64xf32, #tpu.memory_space<vmem>> -> memref<200x64xf32, #tpu.memory_space<vmem>>
        %get3A_329 = arith.index_cast %add3A_324 : i32 to index
        %get3A_330 = arith.constant 16 : index
        %get3A_331 = tpu.vector_load %get3A_328[%get3A_329, %get3A_330] {strides = array<i32>} : memref<200x64xf32, #tpu.memory_space<vmem>>, vector<1x16xf32>,
        %get3A_332 = vector.shape_cast %get3A_331 : vector<1x16xf32> to vector<16xf32>
        %add3A_333 = arith.addf %scan3A_306, %get3A_332 : vector<16xf32>
        %mul3A_334 = arith.constant 4 : i32
        %mul3A_335 = arith.muli %scan3A_304, %mul3A_334 : i32
        %add3A_336 = arith.constant 0 : i32
        %add3A_337 = arith.addi %mul3A_335, %add3A_336 : i32
        %get3A_338 = arith.constant 0 : i32
        %get3A_339 = arith.constant 0 : i32
        %get3A_340 = tpu.memref_slice %arg6[%scan3A_270, %get3A_338, %get3A_339] : memref<4x200x64xf32, #tpu.memory_space<vmem>> -> memref<1x200x64xf32, #tpu.memory_space<vmem>>
        %get3A_341 = tpu.memref_squeeze %get3A_340 : memref<1x200x64xf32, #tpu.memory_space<vmem>> -> memref<200x64xf32, #tpu.memory_space<vmem>>
        %get3A_342 = arith.index_cast %add3A_337 : i32 to index
        %get3A_343 = arith.constant 32 : index
        %get3A_344 = tpu.vector_load %get3A_341[%get3A_342, %get3A_343] {strides = array<i32>} : memref<200x64xf32, #tpu.memory_space<vmem>>, vector<1x16xf32>,
        %get3A_345 = vector.shape_cast %get3A_344 : vector<1x16xf32> to vector<16xf32>
        %add3A_346 = arith.addf %scan3A_307, %get3A_345 : vector<16xf32>
        %mul3A_347 = arith.constant 4 : i32
        %mul3A_348 = arith.muli %scan3A_304, %mul3A_347 : i32
        %add3A_349 = arith.constant 0 : i32
        %add3A_350 = arith.addi %mul3A_348, %add3A_349 : i32
        %get3A_351 = arith.constant 0 : i32
        %get3A_352 = arith.constant 0 : i32
        %get3A_353 = tpu.memref_slice %arg6[%scan3A_270, %get3A_351, %get3A_352] : memref<4x200x64xf32, #tpu.memory_space<vmem>> -> memref<1x200x64xf32, #tpu.memory_space<vmem>>
        %get3A_354 = tpu.memref_squeeze %get3A_353 : memref<1x200x64xf32, #tpu.memory_space<vmem>> -> memref<200x64xf32, #tpu.memory_space<vmem>>
        %get3A_355 = arith.index_cast %add3A_350 : i32 to index
        %get3A_356 = arith.constant 48 : index
        %get3A_357 = tpu.vector_load %get3A_354[%get3A_355, %get3A_356] {strides = array<i32>} : memref<200x64xf32, #tpu.memory_space<vmem>>, vector<1x16xf32>,
        %get3A_358 = vector.shape_cast %get3A_357 : vector<1x16xf32> to vector<16xf32>
        %add3A_359 = arith.addf %scan3A_308, %get3A_358 : vector<16xf32>
        %mul3A_360 = arith.constant 4 : i32
        %mul3A_361 = arith.muli %scan3A_304, %mul3A_360 : i32
        %add3A_362 = arith.constant 1 : i32
        %add3A_363 = arith.addi %mul3A_361, %add3A_362 : i32
        %get3A_364 = arith.constant 0 : i32
        %get3A_365 = arith.constant 0 : i32
        %get3A_366 = tpu.memref_slice %arg6[%scan3A_270, %get3A_364, %get3A_365] : memref<4x200x64xf32, #tpu.memory_space<vmem>> -> memref<1x200x64xf32, #tpu.memory_space<vmem>>
        %get3A_367 = tpu.memref_squeeze %get3A_366 : memref<1x200x64xf32, #tpu.memory_space<vmem>> -> memref<200x64xf32, #tpu.memory_space<vmem>>
        %get3A_368 = arith.index_cast %add3A_363 : i32 to index
        %get3A_369 = arith.constant 0 : index
        %get3A_370 = tpu.vector_load %get3A_367[%get3A_368, %get3A_369] {strides = array<i32>} : memref<200x64xf32, #tpu.memory_space<vmem>>, vector<1x16xf32>,
        %get3A_371 = vector.shape_cast %get3A_370 : vector<1x16xf32> to vector<16xf32>
        %add3A_372 = arith.addf %add3A_320, %get3A_371 : vector<16xf32>
        %mul3A_373 = arith.constant 4 : i32
        %mul3A_374 = arith.muli %scan3A_304, %mul3A_373 : i32
        %add3A_375 = arith.constant 1 : i32
        %add3A_376 = arith.addi %mul3A_374, %add3A_375 : i32
        %get3A_377 = arith.constant 0 : i32
        %get3A_378 = arith.constant 0 : i32
        %get3A_379 = tpu.memref_slice %arg6[%scan3A_270, %get3A_377, %get3A_378] : memref<4x200x64xf32, #tpu.memory_space<vmem>> -> memref<1x200x64xf32, #tpu.memory_space<vmem>>
        %get3A_380 = tpu.memref_squeeze %get3A_379 : memref<1x200x64xf32, #tpu.memory_space<vmem>> -> memref<200x64xf32, #tpu.memory_space<vmem>>
        %get3A_381 = arith.index_cast %add3A_376 : i32 to index
        %get3A_382 = arith.constant 16 : index
        %get3A_383 = tpu.vector_load %get3A_380[%get3A_381, %get3A_382] {strides = array<i32>} : memref<200x64xf32, #tpu.memory_space<vmem>>, vector<1x16xf32>,
        %get3A_384 = vector.shape_cast %get3A_383 : vector<1x16xf32> to vector<16xf32>
        %add3A_385 = arith.addf %add3A_333, %get3A_384 : vector<16xf32>
        %mul3A_386 = arith.constant 4 : i32
        %mul3A_387 = arith.muli %scan3A_304, %mul3A_386 : i32
        %add3A_388 = arith.constant 1 : i32
        %add3A_389 = arith.addi %mul3A_387, %add3A_388 : i32
        %get3A_390 = arith.constant 0 : i32
        %get3A_391 = arith.constant 0 : i32
        %get3A_392 = tpu.memref_slice %arg6[%scan3A_270, %get3A_390, %get3A_391] : memref<4x200x64xf32, #tpu.memory_space<vmem>> -> memref<1x200x64xf32, #tpu.memory_space<vmem>>
        %get3A_393 = tpu.memref_squeeze %get3A_392 : memref<1x200x64xf32, #tpu.memory_space<vmem>> -> memref<200x64xf32, #tpu.memory_space<vmem>>
        %get3A_394 = arith.index_cast %add3A_389 : i32 to index
        %get3A_395 = arith.constant 32 : index
        %get3A_396 = tpu.vector_load %get3A_393[%get3A_394, %get3A_395] {strides = array<i32>} : memref<200x64xf32, #tpu.memory_space<vmem>>, vector<1x16xf32>,
        %get3A_397 = vector.shape_cast %get3A_396 : vector<1x16xf32> to vector<16xf32>
        %add3A_398 = arith.addf %add3A_346, %get3A_397 : vector<16xf32>
        %mul3A_399 = arith.constant 4 : i32
        %mul3A_400 = arith.muli %scan3A_304, %mul3A_399 : i32
        %add3A_401 = arith.constant 1 : i32
        %add3A_402 = arith.addi %mul3A_400, %add3A_401 : i32
        %get3A_403 = arith.constant 0 : i32
        %get3A_404 = arith.constant 0 : i32
        %get3A_405 = tpu.memref_slice %arg6[%scan3A_270, %get3A_403, %get3A_404] : memref<4x200x64xf32, #tpu.memory_space<vmem>> -> memref<1x200x64xf32, #tpu.memory_space<vmem>>
        %get3A_406 = tpu.memref_squeeze %get3A_405 : memref<1x200x64xf32, #tpu.memory_space<vmem>> -> memref<200x64xf32, #tpu.memory_space<vmem>>
        %get3A_407 = arith.index_cast %add3A_402 : i32 to index
        %get3A_408 = arith.constant 48 : index
        %get3A_409 = tpu.vector_load %get3A_406[%get3A_407, %get3A_408] {strides = array<i32>} : memref<200x64xf32, #tpu.memory_space<vmem>>, vector<1x16xf32>,
        %get3A_410 = vector.shape_cast %get3A_409 : vector<1x16xf32> to vector<16xf32>
        %add3A_411 = arith.addf %add3A_359, %get3A_410 : vector<16xf32>
        %mul3A_412 = arith.constant 4 : i32
        %mul3A_413 = arith.muli %scan3A_304, %mul3A_412 : i32
        %add3A_414 = arith.constant 2 : i32
        %add3A_415 = arith.addi %mul3A_413, %add3A_414 : i32
        %get3A_416 = arith.constant 0 : i32
        %get3A_417 = arith.constant 0 : i32
        %get3A_418 = tpu.memref_slice %arg6[%scan3A_270, %get3A_416, %get3A_417] : memref<4x200x64xf32, #tpu.memory_space<vmem>> -> memref<1x200x64xf32, #tpu.memory_space<vmem>>
        %get3A_419 = tpu.memref_squeeze %get3A_418 : memref<1x200x64xf32, #tpu.memory_space<vmem>> -> memref<200x64xf32, #tpu.memory_space<vmem>>
        %get3A_420 = arith.index_cast %add3A_415 : i32 to index
        %get3A_421 = arith.constant 0 : index
        %get3A_422 = tpu.vector_load %get3A_419[%get3A_420, %get3A_421] {strides = array<i32>} : memref<200x64xf32, #tpu.memory_space<vmem>>, vector<1x16xf32>,
        %get3A_423 = vector.shape_cast %get3A_422 : vector<1x16xf32> to vector<16xf32>
        %add3A_424 = arith.addf %add3A_372, %get3A_423 : vector<16xf32>
        %mul3A_425 = arith.constant 4 : i32
        %mul3A_426 = arith.muli %scan3A_304, %mul3A_425 : i32
        %add3A_427 = arith.constant 2 : i32
        %add3A_428 = arith.addi %mul3A_426, %add3A_427 : i32
        %get3A_429 = arith.constant 0 : i32
        %get3A_430 = arith.constant 0 : i32
        %get3A_431 = tpu.memref_slice %arg6[%scan3A_270, %get3A_429, %get3A_430] : memref<4x200x64xf32, #tpu.memory_space<vmem>> -> memref<1x200x64xf32, #tpu.memory_space<vmem>>
        %get3A_432 = tpu.memref_squeeze %get3A_431 : memref<1x200x64xf32, #tpu.memory_space<vmem>> -> memref<200x64xf32, #tpu.memory_space<vmem>>
        %get3A_433 = arith.index_cast %add3A_428 : i32 to index
        %get3A_434 = arith.constant 16 : index
        %get3A_435 = tpu.vector_load %get3A_432[%get3A_433, %get3A_434] {strides = array<i32>} : memref<200x64xf32, #tpu.memory_space<vmem>>, vector<1x16xf32>,
        %get3A_436 = vector.shape_cast %get3A_435 : vector<1x16xf32> to vector<16xf32>
        %add3A_437 = arith.addf %add3A_385, %get3A_436 : vector<16xf32>
        %mul3A_438 = arith.constant 4 : i32
        %mul3A_439 = arith.muli %scan3A_304, %mul3A_438 : i32
        %add3A_440 = arith.constant 2 : i32
        %add3A_441 = arith.addi %mul3A_439, %add3A_440 : i32
        %get3A_442 = arith.constant 0 : i32
        %get3A_443 = arith.constant 0 : i32
        %get3A_444 = tpu.memref_slice %arg6[%scan3A_270, %get3A_442, %get3A_443] : memref<4x200x64xf32, #tpu.memory_space<vmem>> -> memref<1x200x64xf32, #tpu.memory_space<vmem>>
        %get3A_445 = tpu.memref_squeeze %get3A_444 : memref<1x200x64xf32, #tpu.memory_space<vmem>> -> memref<200x64xf32, #tpu.memory_space<vmem>>
        %get3A_446 = arith.index_cast %add3A_441 : i32 to index
        %get3A_447 = arith.constant 32 : index
        %get3A_448 = tpu.vector_load %get3A_445[%get3A_446, %get3A_447] {strides = array<i32>} : memref<200x64xf32, #tpu.memory_space<vmem>>, vector<1x16xf32>,
        %get3A_449 = vector.shape_cast %get3A_448 : vector<1x16xf32> to vector<16xf32>
        %add3A_450 = arith.addf %add3A_398, %get3A_449 : vector<16xf32>
        %mul3A_451 = arith.constant 4 : i32
        %mul3A_452 = arith.muli %scan3A_304, %mul3A_451 : i32
        %add3A_453 = arith.constant 2 : i32
        %add3A_454 = arith.addi %mul3A_452, %add3A_453 : i32
        %get3A_455 = arith.constant 0 : i32
        %get3A_456 = arith.constant 0 : i32
        %get3A_457 = tpu.memref_slice %arg6[%scan3A_270, %get3A_455, %get3A_456] : memref<4x200x64xf32, #tpu.memory_space<vmem>> -> memref<1x200x64xf32, #tpu.memory_space<vmem>>
        %get3A_458 = tpu.memref_squeeze %get3A_457 : memref<1x200x64xf32, #tpu.memory_space<vmem>> -> memref<200x64xf32, #tpu.memory_space<vmem>>
        %get3A_459 = arith.index_cast %add3A_454 : i32 to index
        %get3A_460 = arith.constant 48 : index
        %get3A_461 = tpu.vector_load %get3A_458[%get3A_459, %get3A_460] {strides = array<i32>} : memref<200x64xf32, #tpu.memory_space<vmem>>, vector<1x16xf32>,
        %get3A_462 = vector.shape_cast %get3A_461 : vector<1x16xf32> to vector<16xf32>
        %add3A_463 = arith.addf %add3A_411, %get3A_462 : vector<16xf32>
        %mul3A_464 = arith.constant 4 : i32
        %mul3A_465 = arith.muli %scan3A_304, %mul3A_464 : i32
        %add3A_466 = arith.constant 3 : i32
        %add3A_467 = arith.addi %mul3A_465, %add3A_466 : i32
        %get3A_468 = arith.constant 0 : i32
        %get3A_469 = arith.constant 0 : i32
        %get3A_470 = tpu.memref_slice %arg6[%scan3A_270, %get3A_468, %get3A_469] : memref<4x200x64xf32, #tpu.memory_space<vmem>> -> memref<1x200x64xf32, #tpu.memory_space<vmem>>
        %get3A_471 = tpu.memref_squeeze %get3A_470 : memref<1x200x64xf32, #tpu.memory_space<vmem>> -> memref<200x64xf32, #tpu.memory_space<vmem>>
        %get3A_472 = arith.index_cast %add3A_467 : i32 to index
        %get3A_473 = arith.constant 0 : index
        %get3A_474 = tpu.vector_load %get3A_471[%get3A_472, %get3A_473] {strides = array<i32>} : memref<200x64xf32, #tpu.memory_space<vmem>>, vector<1x16xf32>,
        %get3A_475 = vector.shape_cast %get3A_474 : vector<1x16xf32> to vector<16xf32>
        %add3A_476 = arith.addf %add3A_424, %get3A_475 : vector<16xf32>
        %mul3A_477 = arith.constant 4 : i32
        %mul3A_478 = arith.muli %scan3A_304, %mul3A_477 : i32
        %add3A_479 = arith.constant 3 : i32
        %add3A_480 = arith.addi %mul3A_478, %add3A_479 : i32
        %get3A_481 = arith.constant 0 : i32
        %get3A_482 = arith.constant 0 : i32
        %get3A_483 = tpu.memref_slice %arg6[%scan3A_270, %get3A_481, %get3A_482] : memref<4x200x64xf32, #tpu.memory_space<vmem>> -> memref<1x200x64xf32, #tpu.memory_space<vmem>>
        %get3A_484 = tpu.memref_squeeze %get3A_483 : memref<1x200x64xf32, #tpu.memory_space<vmem>> -> memref<200x64xf32, #tpu.memory_space<vmem>>
        %get3A_485 = arith.index_cast %add3A_480 : i32 to index
        %get3A_486 = arith.constant 16 : index
        %get3A_487 = tpu.vector_load %get3A_484[%get3A_485, %get3A_486] {strides = array<i32>} : memref<200x64xf32, #tpu.memory_space<vmem>>, vector<1x16xf32>,
        %get3A_488 = vector.shape_cast %get3A_487 : vector<1x16xf32> to vector<16xf32>
        %add3A_489 = arith.addf %add3A_437, %get3A_488 : vector<16xf32>
        %mul3A_490 = arith.constant 4 : i32
        %mul3A_491 = arith.muli %scan3A_304, %mul3A_490 : i32
        %add3A_492 = arith.constant 3 : i32
        %add3A_493 = arith.addi %mul3A_491, %add3A_492 : i32
        %get3A_494 = arith.constant 0 : i32
        %get3A_495 = arith.constant 0 : i32
        %get3A_496 = tpu.memref_slice %arg6[%scan3A_270, %get3A_494, %get3A_495] : memref<4x200x64xf32, #tpu.memory_space<vmem>> -> memref<1x200x64xf32, #tpu.memory_space<vmem>>
        %get3A_497 = tpu.memref_squeeze %get3A_496 : memref<1x200x64xf32, #tpu.memory_space<vmem>> -> memref<200x64xf32, #tpu.memory_space<vmem>>
        %get3A_498 = arith.index_cast %add3A_493 : i32 to index
        %get3A_499 = arith.constant 32 : index
        %get3A_500 = tpu.vector_load %get3A_497[%get3A_498, %get3A_499] {strides = array<i32>} : memref<200x64xf32, #tpu.memory_space<vmem>>, vector<1x16xf32>,
        %get3A_501 = vector.shape_cast %get3A_500 : vector<1x16xf32> to vector<16xf32>
        %add3A_502 = arith.addf %add3A_450, %get3A_501 : vector<16xf32>
        %mul3A_503 = arith.constant 4 : i32
        %mul3A_504 = arith.muli %scan3A_304, %mul3A_503 : i32
        %add3A_505 = arith.constant 3 : i32
        %add3A_506 = arith.addi %mul3A_504, %add3A_505 : i32
        %get3A_507 = arith.constant 0 : i32
        %get3A_508 = arith.constant 0 : i32
        %get3A_509 = tpu.memref_slice %arg6[%scan3A_270, %get3A_507, %get3A_508] : memref<4x200x64xf32, #tpu.memory_space<vmem>> -> memref<1x200x64xf32, #tpu.memory_space<vmem>>
        %get3A_510 = tpu.memref_squeeze %get3A_509 : memref<1x200x64xf32, #tpu.memory_space<vmem>> -> memref<200x64xf32, #tpu.memory_space<vmem>>
        %get3A_511 = arith.index_cast %add3A_506 : i32 to index
        %get3A_512 = arith.constant 48 : index
        %get3A_513 = tpu.vector_load %get3A_510[%get3A_511, %get3A_512] {strides = array<i32>} : memref<200x64xf32, #tpu.memory_space<vmem>>, vector<1x16xf32>,
        %get3A_514 = vector.shape_cast %get3A_513 : vector<1x16xf32> to vector<16xf32>
        %add3A_515 = arith.addf %add3A_463, %get3A_514 : vector<16xf32>
        scf.yield %add3A_476, %add3A_489, %add3A_502, %add3A_515 : vector<16xf32>, vector<16xf32>, vector<16xf32>, vector<16xf32>
      }
      %scan3A_276 = arith.constant 50 : i32
      %swap3A_277 = arith.index_cast %add3A_252 : i32 to index
      %swap3A_278 = arith.constant 0 : index
      %swap3A_279 = tpu.vector_load %arg7[%swap3A_277, %swap3A_278] {strides = array<i32>} : memref<128x64xf32, #tpu.memory_space<vmem>>, vector<1x16xf32>,
      %swap3A_280 = vector.shape_cast %swap3A_279 : vector<1x16xf32> to vector<16xf32>
      %swap3A_281 = vector.shape_cast %scan3A_275#0 : vector<16xf32> to vector<1x16xf32>
      tpu.vector_store %arg7[%swap3A_277, %swap3A_278], %swap3A_281 {strides = array<i32>} : memref<128x64xf32, #tpu.memory_space<vmem>>, vector<1x16xf32>,
      %swap3A_282 = arith.index_cast %add3A_252 : i32 to index
      %swap3A_283 = arith.constant 16 : index
      %swap3A_284 = tpu.vector_load %arg7[%swap3A_282, %swap3A_283] {strides = array<i32>} : memref<128x64xf32, #tpu.memory_space<vmem>>, vector<1x16xf32>,
      %swap3A_285 = vector.shape_cast %swap3A_284 : vector<1x16xf32> to vector<16xf32>
      %swap3A_286 = vector.shape_cast %scan3A_275#1 : vector<16xf32> to vector<1x16xf32>
      tpu.vector_store %arg7[%swap3A_282, %swap3A_283], %swap3A_286 {strides = array<i32>} : memref<128x64xf32, #tpu.memory_space<vmem>>, vector<1x16xf32>,
      %swap3A_287 = arith.index_cast %add3A_252 : i32 to index
      %swap3A_288 = arith.constant 32 : index
      %swap3A_289 = tpu.vector_load %arg7[%swap3A_287, %swap3A_288] {strides = array<i32>} : memref<128x64xf32, #tpu.memory_space<vmem>>, vector<1x16xf32>,
      %swap3A_290 = vector.shape_cast %swap3A_289 : vector<1x16xf32> to vector<16xf32>
      %swap3A_291 = vector.shape_cast %scan3A_275#2 : vector<16xf32> to vector<1x16xf32>
      tpu.vector_store %arg7[%swap3A_287, %swap3A_288], %swap3A_291 {strides = array<i32>} : memref<128x64xf32, #tpu.memory_space<vmem>>, vector<1x16xf32>,
      %swap3A_292 = arith.index_cast %add3A_252 : i32 to index
      %swap3A_293 = arith.constant 48 : index
      %swap3A_294 = tpu.vector_load %arg7[%swap3A_292, %swap3A_293] {strides = array<i32>} : memref<128x64xf32, #tpu.memory_space<vmem>>, vector<1x16xf32>,
      %swap3A_295 = vector.shape_cast %swap3A_294 : vector<1x16xf32> to vector<16xf32>
      %swap3A_296 = vector.shape_cast %scan3A_275#3 : vector<16xf32> to vector<1x16xf32>
      tpu.vector_store %arg7[%swap3A_292, %swap3A_293], %swap3A_296 {strides = array<i32>} : memref<128x64xf32, #tpu.memory_space<vmem>>, vector<1x16xf32>,
      %add3A_297 = arith.constant 4 : i32
      %add3A_298 = arith.addi %add3A_252, %add3A_297 : i32
      %lt3A_299 = arith.constant 128 : i32
      %lt3A_300 = arith.cmpi slt, %add3A_298, %lt3A_299 : i32
      %convert_element_type3A_301 = arith.extui %lt3A_300 : i1 to i32
      %cond3A_302 = arith.constant 0 : i32
      %cond3A_303 = arith.cmpi ne, %convert_element_type3A_301, %cond3A_302 : i32
      scf.if %cond3A_303 {
        %add3A_304 = arith.constant 4 : i32
        %add3A_305 = arith.addi %add3A_252, %add3A_304 : i32
        %mul3A_306 = arith.constant 200 : i32
        %mul3A_307 = arith.muli %add3A_305, %mul3A_306 : i32
        %dma_start3A_308 = arith.constant 3 : i32
        %dma_start3A_309 = arith.constant 0 : i32
        %dma_start3A_310 = arith.constant 0 : i32
        %dma_start3A_311 = tpu.memref_slice %arg6[%dma_start3A_308, %dma_start3A_309, %dma_start3A_310] : memref<4x200x64xf32, #tpu.memory_space<vmem>> -> memref<1x128x64xf32, #tpu.memory_space<vmem>>
        %dma_start3A_312 = tpu.memref_squeeze %dma_start3A_311 : memref<1x128x64xf32, #tpu.memory_space<vmem>> -> memref<128x64xf32, #tpu.memory_space<vmem>>
        %dma_start3A_313 = tpu.memref_slice %arg5[%mul3A_307] : memref<25600xi32, #tpu.memory_space<vmem>> -> memref<128xi32, #tpu.memory_space<vmem>>
        %dma_start3A_314 = arith.constant 0 : i32
        %dma_start3A_315 = arith.constant 0 : i32
        %dma_start3A_316 = tpu.memref_slice %arg3[%dma_start3A_314, %dma_start3A_315] : memref<1000000x64xf32, #tpu.memory_space<hbm>> -> memref<1000000x64xf32, #tpu.memory_space<hbm>>
        tpu.enqueue_indirect_dma source(%dma_start3A_316 : memref<1000000x64xf32, #tpu.memory_space<hbm>>) target(%dma_start3A_312 : memref<128x64xf32, #tpu.memory_space<vmem>>) offsets(%dma_start3A_313 : memref<128xi32, #tpu.memory_space<vmem>>) semaphore(%arg11 : memref<!tpu.dma_semaphore, #tpu.memory_space<semaphore_mem>>)
        %add3A_317 = arith.constant 128 : i32
        %add3A_318 = arith.addi %mul3A_307, %add3A_317 : i32
        %dma_start3A_319 = arith.constant 3 : i32
        %dma_start3A_320 = arith.constant 128 : i32
        %dma_start3A_321 = arith.constant 0 : i32
        %dma_start3A_322 = tpu.memref_slice %arg6[%dma_start3A_319, %dma_start3A_320, %dma_start3A_321] : memref<4x200x64xf32, #tpu.memory_space<vmem>> -> memref<1x72x64xf32, #tpu.memory_space<vmem>>
        %dma_start3A_323 = tpu.memref_squeeze %dma_start3A_322 : memref<1x72x64xf32, #tpu.memory_space<vmem>> -> memref<72x64xf32, #tpu.memory_space<vmem>>
        %dma_start3A_324 = tpu.memref_slice %arg5[%add3A_318] : memref<25600xi32, #tpu.memory_space<vmem>> -> memref<72xi32, #tpu.memory_space<vmem>>
        %dma_start3A_325 = arith.constant 0 : i32
        %dma_start3A_326 = arith.constant 0 : i32
        %dma_start3A_327 = tpu.memref_slice %arg3[%dma_start3A_325, %dma_start3A_326] : memref<1000000x64xf32, #tpu.memory_space<hbm>> -> memref<1000000x64xf32, #tpu.memory_space<hbm>>
        tpu.enqueue_indirect_dma source(%dma_start3A_327 : memref<1000000x64xf32, #tpu.memory_space<hbm>>) target(%dma_start3A_323 : memref<72x64xf32, #tpu.memory_space<vmem>>) offsets(%dma_start3A_324 : memref<72xi32, #tpu.memory_space<vmem>>) semaphore(%arg11 : memref<!tpu.dma_semaphore, #tpu.memory_space<semaphore_mem>>)
      } else {
      }
    }
    %scan3A_88 = arith.constant 32 : i32
    "tpu.region"() ({
      %run_scoped3A = tpu.sem_alloc : memref<!tpu.dma_semaphore, #tpu.memory_space<semaphore_mem>>
      %dma_start3A_89 = arith.constant 0 : i32
      %dma_start3A_90 = tpu.memref_slice %arg4[%mul3A_2, %dma_start3A_89] : memref<4096x64xf32, #tpu.memory_space<hbm>> -> memref<128x64xf32, #tpu.memory_space<hbm>>
      %dma_start3A_91 = arith.constant 0 : i32
      %dma_start3A_92 = tpu.memref_slice %arg4[%mul3A_2, %dma_start3A_91] : memref<4096x64xf32, #tpu.memory_space<hbm>> -> memref<128x64xf32, #tpu.memory_space<hbm>>
      tpu.enqueue_dma source(%arg7 : memref<128x64xf32, #tpu.memory_space<vmem>>) target(%dma_start3A_92 : memref<128x64xf32, #tpu.memory_space<hbm>>) target_semaphore(%run_scoped3A : memref<!tpu.dma_semaphore, #tpu.memory_space<semaphore_mem>>)
      %dma_wait3A = arith.constant 0 : i32
      %dma_wait3A_93 = tpu.memref_slice %arg4[%mul3A_2, %dma_wait3A] : memref<4096x64xf32, #tpu.memory_space<hbm>> -> memref<128x64xf32, #tpu.memory_space<hbm>>
      %dma_wait3A_94 = arith.constant 0 : i32
      %dma_wait3A_95 = tpu.memref_slice %arg4[%mul3A_2, %dma_wait3A_94] : memref<4096x64xf32, #tpu.memory_space<hbm>> -> memref<128x64xf32, #tpu.memory_space<hbm>>
      tpu.wait_dma2 semaphore(%run_scoped3A : memref<!tpu.dma_semaphore, #tpu.memory_space<semaphore_mem>>) src(%arg7 : memref<128x64xf32, #tpu.memory_space<vmem>>) dst(%dma_wait3A_95 : memref<128x64xf32, #tpu.memory_space<hbm>>)
      tpu.yield
    }) : () -> ()
    return
  }
}

module attributes {stable_mosaic.version = 14 : i64} {
  func.func @_mlp_body(%arg0: memref<4096x64xf32, #tpu.memory_space<vmem>>, %arg1: memref<64x64xf32, #tpu.memory_space<vmem>>, %arg2: memref<1x64xf32, #tpu.memory_space<vmem>>, %arg3: memref<64x64xf32, #tpu.memory_space<vmem>>, %arg4: memref<1x64xf32, #tpu.memory_space<vmem>>, %arg5: memref<4096x64xf32, #tpu.memory_space<vmem>>) attributes {dimension_semantics = [], scalar_prefetch = 0 : i64, scratch_operands = 0 : i64, tpu.core_type = #tpu.core_type<tc>} {
    %get3A = arith.constant 0 : index
    %get3A_0 = arith.constant 0 : index
    %get3A_1 = vector.load %arg0[%get3A, %get3A_0] : memref<4096x64xf32, #tpu.memory_space<vmem>>, vector<4096x64xf32>
    %get3A_2 = arith.constant 0 : index
    %get3A_3 = arith.constant 0 : index
    %get3A_4 = vector.load %arg1[%get3A_2, %get3A_3] : memref<64x64xf32, #tpu.memory_space<vmem>>, vector<64x64xf32>
    %dot_general3A = arith.constant dense<0.000000e+00> : vector<4096x64xf32>
    %dot_general3A_5 = tpu.matmul %get3A_1, %get3A_4, %dot_general3A {dimension_numbers = #tpu.dot_dimension_numbers<[1], [1], [0], [0], [0, 0, 1, 0], [], []>, transpose_lhs_hint = false} : vector<4096x64xf32>, vector<64x64xf32>, vector<4096x64xf32> -> vector<4096x64xf32>
    %get3A_6 = arith.constant 0 : index
    %get3A_7 = arith.constant 0 : index
    %get3A_8 = vector.load %arg2[%get3A_6, %get3A_7] : memref<1x64xf32, #tpu.memory_space<vmem>>, vector<1x64xf32>
    %add3A = vector.broadcast %get3A_8 : vector<1x64xf32> to vector<4096x64xf32>
    %add3A_9 = arith.addf %dot_general3A_5, %add3A : vector<4096x64xf32>
    %max3A = arith.constant 0.000000e+00 : f32
    %max3A_10 = vector.broadcast %max3A : f32 to vector<4096x64xf32>
    %max3A_11 = arith.maximumf %add3A_9, %max3A_10 : vector<4096x64xf32>
    %get3A_12 = arith.constant 0 : index
    %get3A_13 = arith.constant 0 : index
    %get3A_14 = vector.load %arg3[%get3A_12, %get3A_13] : memref<64x64xf32, #tpu.memory_space<vmem>>, vector<64x64xf32>
    %dot_general3A_15 = arith.constant dense<0.000000e+00> : vector<4096x64xf32>
    %dot_general3A_16 = tpu.matmul %max3A_11, %get3A_14, %dot_general3A_15 {dimension_numbers = #tpu.dot_dimension_numbers<[1], [1], [0], [0], [0, 0, 1, 0], [], []>, transpose_lhs_hint = false} : vector<4096x64xf32>, vector<64x64xf32>, vector<4096x64xf32> -> vector<4096x64xf32>
    %get3A_17 = arith.constant 0 : index
    %get3A_18 = arith.constant 0 : index
    %get3A_19 = vector.load %arg4[%get3A_17, %get3A_18] : memref<1x64xf32, #tpu.memory_space<vmem>>, vector<1x64xf32>
    %add3A_20 = vector.broadcast %get3A_19 : vector<1x64xf32> to vector<4096x64xf32>
    %add3A_21 = arith.addf %dot_general3A_16, %add3A_20 : vector<4096x64xf32>
    %swap3A = arith.constant 0 : index
    %swap3A_22 = arith.constant 0 : index
    %swap3A_23 = vector.load %arg5[%swap3A, %swap3A_22] : memref<4096x64xf32, #tpu.memory_space<vmem>>, vector<4096x64xf32>
    tpu.vector_store %arg5[%swap3A, %swap3A_22], %add3A_21 {strides = array<i32>} : memref<4096x64xf32, #tpu.memory_space<vmem>>, vector<4096x64xf32>,
    return
  }
}

</mosaic_0001>

<sc_bundles>
// kernel: kernel.4.cloned.1.call-start
scs
__scs_entry_jumppad:
0x0: {  	(pc) =	sbr.rel $0x88, $3  }
0x1: {  	(tag) =	ssettag $0x0;
	lr =	simm.s32 $0x1  }
0x2: {  	[smem:$0x3F9B] =	sst lr;
	_ =	strace $0xD0000000  }
0x3: {  	_ = 	snop  }
0x4: {  	_ = 	snop  }
0x5: {  	_ = 	snop  }
0x6: {  	_ = 	snop  }
0x7: {  	_ = 	snop  }
__scs_overlays_trampoline_lowered:
0x8: {  	[smem:$0x3FAA] =	sst s0  }
0x9: {  	[smem:$0x3FAB] =	sst s1  }
0xa: {  	[smem:$0x3FAC] =	sst s2  }
0xb: {  	[smem:$0x3FAD] =	sst s3  }
0xc: {  	[smem:$0x3FAE] =	sst s4  }
0xd: {  	[smem:$0x3FAF] =	sst s5  }
0xe: {  	[smem:$0x3FB0] =	sst s6  }
0xf: {  	[smem:$0x3FB1] =	sst s7  }
0x10: {  	[smem:$0x3FB2] =	sst s8  }
0x11: {  	[smem:$0x3FB3] =	sst s9;
	s0 =	simm.s32 @!p0 $0x0  }
0x12: {  	s1 =	sld [smem:$0x3F99];
	s0 =	simm.s32 @p0 $0x1  }
0x13: {  	[smem:$0x3FB4] =	sst s0;
	s0 =	simm.s32 @!p1 $0x0  }
0x14: {  	s2 =	sld [smem:$0x3F98];
	s0 =	simm.s32 @p1 $0x1  }
0x15: {  	[smem:$0x3FB5] =	sst s0;
	s0 =	simm.s32 @!p2 $0x0  }
0x16: {  	s3 =	sld [smem:$0x3FDB];
	s0 =	simm.s32 @p2 $0x1  }
0x17: {  	s4 =	simm.s32 $0x1BF5;
	[smem:$0x3FB7] =	sst s0  }
0x18: {  	s0 =	sld [smem:$0x3F9A];
	_ =	swait.ge [sflag:s4], $0x0  }
0x19: {  	s7 =	sld [smem:$0x3F9B]  }
0x1a: {  	s8 =	sadd.s32 $0xFFFFE003, lr  }
0x1b: {  	s9 =	sadd.s32 $0xFFFFFEF7, lr;
	s5 =	simm.s32 $0xFFFFFFFF;
	p2 =	slt.u32 s8, $0xFFFFF086  }
0x1c: {  	p1 =	slt.u32 s9, $0xF7A;
	s5 =	simm.s32 @!p2 $0x0  }
0x1d: {  	s5 =	simm.s32 @p1 $0x1;
	p0 =	seq.s32 s7, s2  }
0x1e: {  	s7 =	smul.u32 @!p0 $0xF7A, s2;
	p2 =	seq.s32 @!p0 s5, $0x0  }
0x1f: {  	s9 =	smul.u32 $0xF7A, s1;
	s8 =	simm.s32 @!p0 $0x1BF5;
	p2 =	por !p2, p0  }
0x20: {  	[sflag:s8] =	ssyncset.s32 @!p0 $0xFFFFF086;
	s6 =	sadd.s32 @!p0 s3, s7;
	s7 =	simm.s32 @!p0 $0x108  }
0x21: {  	s3 =	sadd.s32 s3, s9;
	s6 =	sadd.s32 @!p0 $0x88, s6;
	s7 =	simm.s32 @p2 $0x1082  }
0x22: {  	[simem:s7], [sflag:s8] =	dma.local @!p0 [hbm:s6], $0xF7A  }
0x23: {  	s9 =	sor.u32 $0xD0000000, s2;
	s6 =	simm.s32 $0x108;
	_ =	swait.ge @!p0 [sflag:s8], $0x0  }
0x24: {  	s3 =	sadd.s32 $0x88, s3;
	s6 =	simm.s32 @!p1 $0x1082;
	[sflag:s4] =	ssyncset.s32 $0xFFFFF086  }
0x25: {  	[simem:s6], [sflag:s4] =	dma.local [hbm:s3], $0xF7A  }
0x26: {  	[smem:$0x3F9B] =	sst s1;
	(tag) =	ssettag s2;
	_ =	strace s9  }
0x27: {  	s1 =	sld [smem:$0x3FAB]  }
0x28: {  	s2 =	sld [smem:$0x3FAC]  }
0x29: {  	s4 =	sld [smem:$0x3FAE]  }
0x2a: {  	p0 =	seq.s32 s5, $0x0;
	s5 =	sld [smem:$0x3FAF]  }
0x2b: {  	s6 =	sld [smem:$0x3FB0]  }
0x2c: {  	s7 =	sld [smem:$0x3FB1]  }
0x2d: {  	s3 =	simm.s32 $0x108;
	s8 =	sld [smem:$0x3FB2]  }
0x2e: {  	s3 =	simm.s32 @!p0 $0x1082;
	s9 =	sld [smem:$0x3FB3]  }
0x2f: {  	lr =	sadd.s32 s0, s3;
	s0 =	sld [smem:$0x3FAA]  }
0x30: {  	s3 =	sld [smem:$0x3FAD]  }
0x31: {  	[smem:$0x3FB6] =	sst s10  }
0x32: {  	s10 =	sld [smem:$0x3FB4];
	_ =	sdelay $0x3  }
0x33: {  	p0 =	seq.s32 s10, $0x1;
	s10 =	sld [smem:$0x3FB6];
	_ =	sdelay $0x3  }
0x34: {  	[smem:$0x3FB6] =	sst s10  }
0x35: {  	s10 =	sld [smem:$0x3FB5];
	_ =	sdelay $0x3  }
0x36: {  	p1 =	seq.s32 s10, $0x1;
	s10 =	sld [smem:$0x3FB6];
	_ =	sdelay $0x3  }
0x37: {  	[smem:$0x3FB6] =	sst s10  }
0x38: {  	s10 =	sld [smem:$0x3FB7]  }
0x39: {  	_ = 	snop;
	(pc) =	sbr.ind lr, $3  }
0x3a: {  	_ = 	snop  }
0x3b: {  	_ = 	snop  }
0x3c: {  	p2 =	seq.s32 s10, $0x1;
	s10 =	sld [smem:$0x3FB6]  }
0x3d: {  	_ =	shalt  }
0x3e: {  	_ =	shalt  }
0x3f: {  	_ =	shalt  }
0x40: {  	_ =	shalt  }
0x41: {  	_ =	shalt  }
0x42: {  	_ =	shalt  }
0x43: {  	_ =	shalt  }
0x44: {  	_ =	shalt  }
0x45: {  	_ =	shalt  }
0x46: {  	_ =	shalt  }
0x47: {  	_ =	shalt  }
0x48: {  	_ =	shalt  }
0x49: {  	_ =	shalt  }
0x4a: {  	_ =	shalt  }
0x4b: {  	_ =	shalt  }
0x4c: {  	_ =	shalt  }
0x4d: {  	_ =	shalt  }
0x4e: {  	_ =	shalt  }
0x4f: {  	_ =	shalt  }
0x50: {  	_ =	shalt  }
0x51: {  	_ =	shalt  }
0x52: {  	_ =	shalt  }
0x53: {  	_ =	shalt  }
0x54: {  	_ =	shalt  }
0x55: {  	_ =	shalt  }
0x56: {  	_ =	shalt  }
0x57: {  	_ =	shalt  }
0x58: {  	_ =	shalt  }
0x59: {  	_ =	shalt  }
0x5a: {  	_ =	shalt  }
0x5b: {  	_ =	shalt  }
0x5c: {  	_ =	shalt  }
0x5d: {  	_ =	shalt  }
0x5e: {  	_ =	shalt  }
0x5f: {  	_ =	shalt  }
0x60: {  	_ =	shalt  }
0x61: {  	_ =	shalt  }
0x62: {  	_ =	shalt  }
0x63: {  	_ =	shalt  }
0x64: {  	_ =	shalt  }
0x65: {  	_ =	shalt  }
0x66: {  	_ =	shalt  }
0x67: {  	_ =	shalt  }
0x68: {  	_ =	shalt  }
0x69: {  	_ =	shalt  }
0x6a: {  	_ =	shalt  }
0x6b: {  	_ =	shalt  }
0x6c: {  	_ =	shalt  }
0x6d: {  	_ =	shalt  }
0x6e: {  	_ =	shalt  }
0x6f: {  	_ =	shalt  }
0x70: {  	_ =	shalt  }
0x71: {  	_ =	shalt  }
0x72: {  	_ =	shalt  }
0x73: {  	_ =	shalt  }
0x74: {  	_ =	shalt  }
0x75: {  	_ =	shalt  }
0x76: {  	_ =	shalt  }
0x77: {  	_ =	shalt  }
0x78: {  	_ =	shalt  }
0x79: {  	_ =	shalt  }
0x7a: {  	_ =	shalt  }
0x7b: {  	_ =	shalt  }
0x7c: {  	_ =	shalt  }
0x7d: {  	_ =	shalt  }
0x7e: {  	_ =	shalt  }
0x7f: {  	_ =	shalt  }
0x80: {  	_ =	shalt  }
0x81: {  	_ =	shalt  }
0x82: {  	_ =	shalt  }
0x83: {  	_ =	shalt  }
0x84: {  	_ =	shalt  }
0x85: {  	_ =	shalt  }
0x86: {  	_ =	shalt  }
0x87: {  	_ =	shalt  }
.Lfunc_end0:
.L_simem_size_0:
called_computation_lowered:
.L_overlay_start_0:
0x88: {  	s2 =	sld [smem:$0x3FD9]  }
0x89: {  	s3 =	sld [smem:$0x3FFE];
	_ =	sdelay $0x1  }
0x8a: {  	s1 =	srdreg.scid  }
0x8b: {  	s0 =	sand.u32 $0x1, s1  }
0x8c: {  	s17 =	sshll.u32 s0, $0xA;
	s2 =	sadd.s32 s3, s2  }
0x8d: {  	s2 =	sadd.s32 s2, s17  }
0x8e: {  	[smem:$0x3FC2] =	sst s2  }
0x8f: {  	_ = 	snop  }
0x90: {  	s2 =	sld [smem:$0x3FD0];
	(tm) =	ssettm $0x1  }
0x91: {  	s18 =	sld [smem:$0x3FFB];
	_ =	sdelay $0x3  }
0x92: {  	_ =	strace s18  }
0x93: {  	s3 =	sld [smem:$0x3FFC];
	_ =	sdelay $0x3  }
0x94: {  	_ =	strace s3  }
0x95: {  	s3 =	sld [smem:$0x3FFD];
	_ =	sdelay $0x3  }
0x96: {  	_ =	strace s3  }
0x97: {  	_ =	strace $0x8FFFFFFF  }
0x98: {  	s19 =	sld [smem:$0x3FDB];
	_ =	sdelay $0x1  }
0x99: {  	s4 =	simm.s32 $_scs_section_size  }
0x9a: {  	s5 =	simm.s32 $_size__tile_overlayer_lowered;
	s6 =	simm.s32 $_tile_overlayer_lowered  }
0x9b: {  	s22 =	simm.s32 $0x1BFF;
	s21 =	sshll.u32 s6, $0x1;
	s3 =	sadd.s32 s4, s19  }
0x9c: {  	s7 =	simm.s32 $0x0;
	s20 =	sshll.u32 s5, $0x1;
	s5 =	sadd.s32 s21, s3  }
0x9d: {  	[timem:s7], [sflag:s22] =	dma.local [hbm:s5], s20  }
0x9e: {  	_ =	swait.ge [sflag:s22], s20  }
0x9f: {  	s4 =	ssub.s32 $0x0, s20;
	[sflag:s22] =	ssyncset.done $0x0  }
0xa0: {  	[sflag:s22] =	ssyncadd.s32 s4;
	_ =	sdelay $0x1  }
0xa1: {  	s23 =	simm.s32 $0x1B8B  }
0xa2: {  	_ =	swait.ge [sflag:s23], $0x1  }
0xa3: {  	[sflag:s23] =	ssyncset.done $0x0  }
0xa4: {  	s25 =	simm.s32 $0x1B8E;
	s24 =	sld [smem:$0x3FFE];
	[sflag:s23] =	ssyncadd.s32 $0xFFFFFFFF  }
0xa5: {  	s26 =	simm.s32 $execute0_lowered;
	[smem:$0x3FD2] =	sst s25  }
0xa6: {  	s5 =	sshll.u32 s26, $0x1;
	_ =	strace $0x80000046;
	[dreg:$0x1] =	wrdreg $0xFFFFFFFF  }
0xa7: {  	s28 =	simm.s32 $_size_execute0_lowered;
	s3 =	sadd.s32 s3, s5;
	[dreg:$0x0] =	wrdreg $0x0  }
0xa8: {  	s5 =	sshll.u32 s28, $0x1;
	[dreg:$0x2] =	wrdreg s3  }
0xa9: {  	[dreg:$0x3] =	wrdreg s5  }
0xaa: {  	[dreg:$0x4] =	wrdreg $0xC0  }
0xab: {  	_ =	task [dreg:s7], $0x5FFFF  }
0xac: {  	[dreg:$0x1] =	wrdreg $0xFFFFFFFF  }
0xad: {  	[dreg:$0x0] =	wrdreg $0x60  }
0xae: {  	[dreg:$0x2] =	wrdreg s24  }
0xaf: {  	[dreg:$0x3] =	wrdreg s2  }
0xb0: {  	[dreg:$0x4] =	wrdreg $0x9  }
0xb1: {  	_ =	task.clear_ibuf [dreg:s7], $0x5FFFF;
	_ =	strace $0x90000046  }
0xb2: {  	s29 =	simm.s32 $0x9;
	_ =	strace $0x80000048  }
0xb3: {  	_ =	swait.ge [sflag:s29], $0x1  }
0xb4: {  	[sflag:s29] =	ssyncadd.s32 $0xFFFFFFFF  }
0xb5: {  	_ =	strace $0x90000048  }
0xb6: {  	_ =	sfence  }
0xb7: {  	s30 =	sld [smem:$0x0];
	_ =	sdelay $0x2  }
0xb8: {  	s31 =	sshll.u32 s1, $0xD;
	s1 =	sshrl.u32 s1, $0x2  }
0xb9: {  	s3 =	sand.u32 $0x4000, s31;
	s1 =	sadd.s32 s1, s30  }
0xba: {  	s0 =	sor.u32 s3, s0;
	s1 =	sshll.u32 s1, $0x11  }
0xbb: {  	s0 =	sor.u32 s1, s0  }
0xbc: {  	s0 =	sadd.s32 $0x8F2B, s0  }
0xbd: {  	[sflag:s0] =	ssyncadd.remote.s32 $0x1  }
0xbe: {  	_ =	sfence.sel $0xFFFF  }
0xbf: {  	[dreg:$0x0] =	wrdreg $0xFFFFFFFF;
	(pc) =	sbr.abs _section_cstart, $3  }
0xc0: {  	[dreg:$0x1] =	wrdreg $0xFFFFFFFF  }
0xc1: {  	_ =	task.clear_ibuf [dreg:s7], $0x2FFFF;
	_ =	strace $0x9FFFFFFF  }
0xc2: {  	(tm) =	ssettm $0x7FFFFFFF  }
0xc3: {  	_ =	shalt  }
tec
execute0_lowered:
.L_overlay_start_1:
0x0: {  	(tag) =	ssettag $0x1  }
0x1: {  	s0 =	srdreg.scid;
	s1 =	rddreg [dreg:$0x0]  }
0x2: {  	s2 =	stileid.u32;
	s5 =	rddreg [dreg:$0x1];
	s8 =	simm.s32 $0x80  }
0x3: {  	s10 =	simm.s32 $0x48;
	s13 =	simm.s32 $0x9600;
	s14 =	simm.s32 $0x148  }
0x4: {  	s15 =	simm.s32 $0xB600;
	s16 =	simm.s32 $0x190;
	s17 =	simm.s32 $0xC800  }
0x5: {  	s18 =	simm.s32 $0x210;
	s19 =	simm.s32 $0xE800;
	s20 =	simm.s32 $0x258  }
0x6: {  	s21 =	simm.s32 $0xFA00;
	s22 =	simm.s32 $0x2D8;
	s23 =	simm.s32 $0x11A00  }
0x7: {  	s24 =	simm.s32 $0x1;
	s25 =	simm.s32 $0x2;
	s26 =	simm.s32 $0x3  }
0x8: {  	s28 =	simm.s32 $0x4;
	s0 =	sand.u32 $0x1, s0;
	s2 =	sshll.u32 s2, $0x1  }
0x9: {  	s29 =	simm.s32 $0x12C00;
	s30 =	simm.s32 $0x0;
	s4 =	sor.u32 s0, s2  }
.Ltmp0:
0xa: {  	s2 =	simm.s32 $0x0;
	s0 =	ssub.s32 $0x2, s0;
	(pc) =	sbr.rel .LBB2_1-.Ltmp0, $4  }
0xb: {  	s3 =	smul.u32 $0xC80, s4;
	[smem:$0x7FF] =	sst s2;
	s31 =	sshrl.u32 s0, $0x1  }
0xc: {  	s7 =	sshll.u32 s4, $0xA;
	_ =	strace $0x80000047;
	s0 =	ssub.s32 s0, s31  }
0xd: {  	s5 =	sadd.s32 s5, s7;
	s7 =	simm.s32 $0x5;
	s6 =	sadd.s32 s3, s1  }
0xe: {  	s3 =	sadd.s32 $0xF43200, s1;
	s4 =	sadd.s32 $0xE00, s6;
	s6 =	smax.u32 s0, $0x1  }
.LBB2_12:
0xf: {  	s30 =	sadd.s32 $0x1, s30  }
0x10: {  	p0 =	sne.s32 s30, s6  }
.Ltmp1:
0x11: {  	_ = 	snop;
	(pc) =	sbr.rel @!p0 .LBB2_13-.Ltmp1, $4  }
0x12: {  	[hbm4b:s5+s2] =	stream.linear.scatter [tilespmem:s29], [sflag:$0x5], $0x2000, $0x38;
	[tilespmem:$0x14C00] =	vst v63  }
0x13: {  	_ =	swait.ge [sflag:s7], $0x2000  }
0x14: {  	[sflag:s7] =	ssyncset.done $0x0  }
0x15: {  	[sflag:s7] =	ssyncadd.s32 $0xFFFFE000  }
.LBB2_1:
0x16: {  	[tilespmem:s2], [sflag:$0x5] =	stream.linear.gather [hbm4b:s4+s2], $0x6400, $0x38;
	[tilespmem:$0x14C00] =	vst v63  }
0x17: {  	_ =	swait.ge [sflag:s7], $0x6400  }
0x18: {  	[sflag:s7] =	ssyncset.done $0x0  }
0x19: {  	s0 =	simm.s32 $0x6400;
	[sflag:s7] =	ssyncadd.s32 $0xFFFF9C00  }
0x1a: {  	[tilespmem:s0], [sflag:$0x1] =	stream.indirect.gather [hbm4b:s3+s8], $0x40, s2, s8, $0xb8;
	[tilespmem:$0x14C00] =	vst v63  }
0x1b: {  	s11 =	simm.s32 $0x8400  }
0x1c: {  	[tilespmem:s11], [sflag:$0x1] =	stream.indirect.gather [hbm4b:s3+s10], $0x40, s8, s10, $0xb8;
	[tilespmem:$0x14C00] =	vst v63  }
0x1d: {  	s12 =	simm.s32 $0xC8  }
0x1e: {  	[tilespmem:s13], [sflag:$0x2] =	stream.indirect.gather [hbm4b:s3+s8], $0x40, s12, s8, $0xb8;
	[tilespmem:$0x14C00] =	vst v63  }
0x1f: {  	_ = 	snop  }
0x20: {  	[tilespmem:s15], [sflag:$0x2] =	stream.indirect.gather [hbm4b:s3+s10], $0x40, s14, s10, $0xb8;
	[tilespmem:$0x14C00] =	vst v63  }
0x21: {  	_ = 	snop  }
0x22: {  	[tilespmem:s17], [sflag:$0x3] =	stream.indirect.gather [hbm4b:s3+s8], $0x40, s16, s8, $0xb8;
	[tilespmem:$0x14C00] =	vst v63  }
0x23: {  	_ = 	snop  }
0x24: {  	[tilespmem:s19], [sflag:$0x3] =	stream.indirect.gather [hbm4b:s3+s10], $0x40, s18, s10, $0xb8;
	[tilespmem:$0x14C00] =	vst v63  }
0x25: {  	_ = 	snop  }
0x26: {  	[tilespmem:s21], [sflag:$0x4] =	stream.indirect.gather [hbm4b:s3+s8], $0x40, s20, s8, $0xb8;
	[tilespmem:$0x14C00] =	vst v63  }
0x27: {  	s31 =	simm.s32 $0x0  }
0x28: {  	[tilespmem:s23], [sflag:$0x4] =	stream.indirect.gather [hbm4b:s3+s10], $0x40, s22, s10, $0xb8;
	[tilespmem:$0x14C00] =	vst v63  }
.LBB2_2:
0x29: {  	_ =	swait.ge [sflag:s24], $0x3200  }
0x2a: {  	[sflag:s24] =	ssyncset.done $0x0  }
0x2b: {  	s0 =	simm.s32 $0x0;
	[sflag:s24] =	ssyncadd.s32 $0xFFFFCE00  }
0x2c: {  	v0 =	vld [tilespmem:s0+$0x64C0]  }
0x2d: {  	v1 =	vld [tilespmem:s0+$0x64D0]  }
0x2e: {  	v2 =	vld [tilespmem:s0+$0x6480]  }
0x2f: {  	v3 =	vld [tilespmem:s0+$0x6490]  }
0x30: {  	v4 =	vld [tilespmem:s0+$0x6440]  }
0x31: {  	v5 =	vld [tilespmem:s0+$0x6450]  }
0x32: {  	v10 =	vld [tilespmem:s0+$0x6400]  }
0x33: {  	v6 =	vimm.f32 $0.0e+00;
	v12 =	vld [tilespmem:s0+$0x6410]  }
0x34: {  	s1 =	simm.s32 $0x400;
	v9 =	vimm.f32 $0.0e+00;
	v8 =	vimm.f32 $0.0e+00;
	v7 =	vimm.f32 $0.0e+00;
	v11 =	vld [tilespmem:s0+$0x6420]  }
.LBB2_3:
0x35: {  	p0 =	sne.s32 s1, $0xC400;
	v13 =	vld [tilespmem:s0+$0x6430]  }
0x36: {  	v14 =	vld [tilespmem:s0+$0x6460]  }
0x37: {  	v15 =	vld [tilespmem:s0+$0x6470]  }
0x38: {  	v16 =	vld [tilespmem:s0+$0x64A0]  }
0x39: {  	v6 =	vadd.f32 v10, v6;
	v9 =	vadd.f32 v12, v9;
	v10 =	vld [tilespmem:s0+$0x64B0]  }
0x3a: {  	v8 =	vadd.f32 v11, v8;
	v7 =	vadd.f32 v13, v7;
	v11 =	vld [tilespmem:s0+$0x64E0]  }
0x3b: {  	v4 =	vadd.f32 v4, v6;
	v5 =	vadd.f32 v5, v9;
	v12 =	vld [tilespmem:s0+$0x64F0];
	s0 =	sshra.s32 s1, $0x2  }
0x3c: {  	v6 =	vadd.f32 v14, v8;
	v13 =	vld [tilespmem:s0+$0x64C0];
	v7 =	vadd.f32 v15, v7  }
0x3d: {  	v4 =	vadd.f32 v2, v4;
	v5 =	vadd.f32 v3, v5;
	v14 =	vld [tilespmem:s0+$0x64D0]  }
0x3e: {  	v8 =	vadd.f32 v16, v6;
	v2 =	vld [tilespmem:s0+$0x6480];
	v7 =	vadd.f32 v10, v7  }
0x3f: {  	v6 =	vadd.f32 v0, v4;
	v9 =	vadd.f32 v1, v5;
	v3 =	vld [tilespmem:s0+$0x6490]  }
.Ltmp2:
0x40: {  	v8 =	vadd.f32 v11, v8;
	v4 =	vld [tilespmem:s0+$0x6440];
	v7 =	vadd.f32 v12, v7;
	(pc) =	sbr.rel @p0 .LBB2_3-.Ltmp2, $4  }
0x41: {  	v5 =	vld [tilespmem:s0+$0x6450];
	v0 =	vmov v13  }
0x42: {  	v10 =	vld [tilespmem:s0+$0x6400];
	v1 =	vmov v14  }
0x43: {  	v12 =	vld [tilespmem:s0+$0x6410]  }
0x44: {  	s1 =	sadd.s32 $0x400, s1;
	v11 =	vld [tilespmem:s0+$0x6420]  }
0x45: {  	v13 =	vld [tilespmem:s0+$0x6430]  }
0x46: {  	v14 =	vld [tilespmem:s0+$0x6460]  }
0x47: {  	v15 =	vld [tilespmem:s0+$0x6470];
	v6 =	vadd.f32 v10, v6  }
0x48: {  	v10 =	vld [tilespmem:s0+$0x64A0];
	v9 =	vadd.f32 v12, v9  }
0x49: {  	v12 =	vld [tilespmem:s0+$0x64B0];
	v8 =	vadd.f32 v11, v8;
	v4 =	vadd.f32 v4, v6  }
0x4a: {  	v6 =	vadd.f32 v13, v7;
	v7 =	vld [tilespmem:s0+$0x64E0];
	v5 =	vadd.f32 v5, v9  }
0x4b: {  	v9 =	vld [tilespmem:s0+$0x64F0];
	v8 =	vadd.f32 v14, v8;
	v2 =	vadd.f32 v2, v4  }
0x4c: {  	v4 =	vadd.f32 v15, v6;
	v3 =	vadd.f32 v3, v5  }
0x4d: {  	s12 =	sshll.u32 s31, $0x8;
	v5 =	vadd.f32 v10, v8;
	v0 =	vadd.f32 v0, v2  }
0x4e: {  	p0 =	seq.s32 s31, $0x1F;
	s1 =	sand.u32 $0x3FFFFF00, s12;
	v2 =	vadd.f32 v12, v4;
	v1 =	vadd.f32 v1, v3  }
0x4f: {  	s0 =	smul.u32 @!p0 $0xC80, s31;
	v3 =	vadd.f32 v7, v5;
	[tilespmem:s1+$0x12C00] =	vst v0  }
0x50: {  	v0 =	vadd.f32 v9, v2;
	[tilespmem:s1+$0x12C10] =	vst v1  }
0x51: {  	s0 =	sshra.s32 @!p0 s0, $0x2;
	[tilespmem:s1+$0x12C20] =	vst v3  }
0x52: {  	s11 =	simm.s32 @!p0 $0x80;
	s12 =	simm.s32 @!p0 $0x6400;
	s9 =	sadd.s32 @!p0 $0x320, s0;
	[tilespmem:s1+$0x12C30] =	vst v0  }
0x53: {  	[tilespmem:s12], [sflag:$0x1] =	stream.indirect.gather @!p0 [hbm4b:s3+s11], $0x40, s9, s11, $0xb8;
	[tilespmem:$0x14C00] =	vst v63  }
0x54: {  	s9 =	sadd.s32 @!p0 $0x3A0, s0;
	s11 =	simm.s32 @!p0 $0x48;
	s12 =	simm.s32 @!p0 $0x8400  }
0x55: {  	[tilespmem:s12], [sflag:$0x1] =	stream.indirect.gather @!p0 [hbm4b:s3+s11], $0x40, s9, s11, $0xb8;
	[tilespmem:$0x14C00] =	vst v63  }
0x56: {  	_ =	swait.ge [sflag:s25], $0x3200  }
0x57: {  	[sflag:s25] =	ssyncset.done $0x0  }
0x58: {  	s9 =	simm.s32 $0x0;
	[sflag:s25] =	ssyncadd.s32 $0xFFFFCE00  }
0x59: {  	v0 =	vld [tilespmem:s9+$0x96C0]  }
0x5a: {  	v1 =	vld [tilespmem:s9+$0x96D0]  }
0x5b: {  	v2 =	vld [tilespmem:s9+$0x9680]  }
0x5c: {  	v3 =	vld [tilespmem:s9+$0x9690]  }
0x5d: {  	v4 =	vld [tilespmem:s9+$0x9640]  }
0x5e: {  	v5 =	vld [tilespmem:s9+$0x9650]  }
0x5f: {  	v10 =	vld [tilespmem:s9+$0x9600]  }
0x60: {  	v6 =	vimm.f32 $0.0e+00;
	v12 =	vld [tilespmem:s9+$0x9610]  }
0x61: {  	v8 =	vimm.f32 $0.0e+00;
	v7 =	vimm.f32 $0.0e+00;
	v9 =	vimm.f32 $0.0e+00;
	s11 =	simm.s32 $0x400;
	v11 =	vld [tilespmem:s9+$0x9620]  }
.LBB2_5:
0x62: {  	p1 =	sne.s32 s11, $0xC400;
	v13 =	vld [tilespmem:s9+$0x9630]  }
0x63: {  	v14 =	vld [tilespmem:s9+$0x9660]  }
0x64: {  	v15 =	vld [tilespmem:s9+$0x9670]  }
0x65: {  	v16 =	vld [tilespmem:s9+$0x96A0]  }
0x66: {  	v6 =	vadd.f32 v10, v6;
	v9 =	vadd.f32 v12, v9;
	v10 =	vld [tilespmem:s9+$0x96B0]  }
0x67: {  	v8 =	vadd.f32 v11, v8;
	v7 =	vadd.f32 v13, v7;
	v11 =	vld [tilespmem:s9+$0x96E0]  }
0x68: {  	v4 =	vadd.f32 v4, v6;
	v5 =	vadd.f32 v5, v9;
	v12 =	vld [tilespmem:s9+$0x96F0];
	s9 =	sshra.s32 s11, $0x2  }
0x69: {  	v6 =	vadd.f32 v14, v8;
	v13 =	vld [tilespmem:s9+$0x96C0];
	v7 =	vadd.f32 v15, v7  }
0x6a: {  	v4 =	vadd.f32 v2, v4;
	v5 =	vadd.f32 v3, v5;
	v14 =	vld [tilespmem:s9+$0x96D0]  }
0x6b: {  	v8 =	vadd.f32 v16, v6;
	v2 =	vld [tilespmem:s9+$0x9680];
	v7 =	vadd.f32 v10, v7  }
0x6c: {  	v6 =	vadd.f32 v0, v4;
	v9 =	vadd.f32 v1, v5;
	v3 =	vld [tilespmem:s9+$0x9690]  }
.Ltmp3:
0x6d: {  	v8 =	vadd.f32 v11, v8;
	v4 =	vld [tilespmem:s9+$0x9640];
	v7 =	vadd.f32 v12, v7;
	(pc) =	sbr.rel @p1 .LBB2_5-.Ltmp3, $4  }
0x6e: {  	v5 =	vld [tilespmem:s9+$0x9650];
	v0 =	vmov v13  }
0x6f: {  	v10 =	vld [tilespmem:s9+$0x9600];
	v1 =	vmov v14  }
0x70: {  	v12 =	vld [tilespmem:s9+$0x9610]  }
0x71: {  	s11 =	sadd.s32 $0x400, s11;
	v11 =	vld [tilespmem:s9+$0x9620]  }
0x72: {  	v13 =	vld [tilespmem:s9+$0x9630]  }
0x73: {  	v14 =	vld [tilespmem:s9+$0x9660]  }
0x74: {  	v15 =	vld [tilespmem:s9+$0x9670];
	v6 =	vadd.f32 v10, v6  }
0x75: {  	v10 =	vld [tilespmem:s9+$0x96A0];
	v9 =	vadd.f32 v12, v9  }
0x76: {  	v12 =	vld [tilespmem:s9+$0x96B0];
	v8 =	vadd.f32 v11, v8;
	v4 =	vadd.f32 v4, v6  }
0x77: {  	v6 =	vadd.f32 v13, v7;
	v7 =	vld [tilespmem:s9+$0x96E0];
	v5 =	vadd.f32 v5, v9  }
0x78: {  	v9 =	vld [tilespmem:s9+$0x96F0];
	v8 =	vadd.f32 v14, v8;
	v2 =	vadd.f32 v2, v4  }
0x79: {  	v4 =	vadd.f32 v15, v6;
	v3 =	vadd.f32 v3, v5  }
0x7a: {  	v5 =	vadd.f32 v10, v8;
	v0 =	vadd.f32 v0, v2  }
0x7b: {  	v2 =	vadd.f32 v12, v4;
	v1 =	vadd.f32 v1, v3  }
0x7c: {  	v3 =	vadd.f32 v7, v5;
	[tilespmem:s1+$0x12C40] =	vst v0  }
0x7d: {  	v0 =	vadd.f32 v9, v2;
	[tilespmem:s1+$0x12C50] =	vst v1  }
0x7e: {  	[tilespmem:s1+$0x12C60] =	vst v3  }
0x7f: {  	s11 =	simm.s32 @!p0 $0x80;
	s12 =	simm.s32 @!p0 $0x9600;
	s9 =	sadd.s32 @!p0 $0x3E8, s0;
	[tilespmem:s1+$0x12C70] =	vst v0  }
0x80: {  	[tilespmem:s12], [sflag:$0x2] =	stream.indirect.gather @!p0 [hbm4b:s3+s11], $0x40, s9, s11, $0xb8;
	[tilespmem:$0x14C00] =	vst v63  }
0x81: {  	s9 =	sadd.s32 @!p0 $0x468, s0;
	s11 =	simm.s32 @!p0 $0x48;
	s12 =	simm.s32 @!p0 $0xB600  }
0x82: {  	[tilespmem:s12], [sflag:$0x2] =	stream.indirect.gather @!p0 [hbm4b:s3+s11], $0x40, s9, s11, $0xb8;
	[tilespmem:$0x14C00] =	vst v63  }
0x83: {  	_ =	swait.ge [sflag:s26], $0x3200  }
0x84: {  	[sflag:s26] =	ssyncset.done $0x0  }
0x85: {  	s9 =	simm.s32 $0x0;
	[sflag:s26] =	ssyncadd.s32 $0xFFFFCE00  }
0x86: {  	v0 =	vld [tilespmem:s9+$0xC8C0]  }
0x87: {  	v1 =	vld [tilespmem:s9+$0xC8D0]  }
0x88: {  	v2 =	vld [tilespmem:s9+$0xC880]  }
0x89: {  	v3 =	vld [tilespmem:s9+$0xC890]  }
0x8a: {  	v4 =	vld [tilespmem:s9+$0xC840]  }
0x8b: {  	v5 =	vld [tilespmem:s9+$0xC850]  }
0x8c: {  	v10 =	vld [tilespmem:s9+$0xC800]  }
0x8d: {  	v6 =	vimm.f32 $0.0e+00;
	v12 =	vld [tilespmem:s9+$0xC810]  }
0x8e: {  	v8 =	vimm.f32 $0.0e+00;
	v7 =	vimm.f32 $0.0e+00;
	v9 =	vimm.f32 $0.0e+00;
	s11 =	simm.s32 $0x400;
	v11 =	vld [tilespmem:s9+$0xC820]  }
.LBB2_7:
0x8f: {  	p1 =	sne.s32 s11, $0xC400;
	v13 =	vld [tilespmem:s9+$0xC830]  }
0x90: {  	v14 =	vld [tilespmem:s9+$0xC860]  }
0x91: {  	v15 =	vld [tilespmem:s9+$0xC870]  }
0x92: {  	v16 =	vld [tilespmem:s9+$0xC8A0]  }
0x93: {  	v6 =	vadd.f32 v10, v6;
	v9 =	vadd.f32 v12, v9;
	v10 =	vld [tilespmem:s9+$0xC8B0]  }
0x94: {  	v8 =	vadd.f32 v11, v8;
	v7 =	vadd.f32 v13, v7;
	v11 =	vld [tilespmem:s9+$0xC8E0]  }
0x95: {  	v4 =	vadd.f32 v4, v6;
	v5 =	vadd.f32 v5, v9;
	v12 =	vld [tilespmem:s9+$0xC8F0];
	s9 =	sshra.s32 s11, $0x2  }
0x96: {  	v6 =	vadd.f32 v14, v8;
	v13 =	vld [tilespmem:s9+$0xC8C0];
	v7 =	vadd.f32 v15, v7  }
0x97: {  	v4 =	vadd.f32 v2, v4;
	v5 =	vadd.f32 v3, v5;
	v14 =	vld [tilespmem:s9+$0xC8D0]  }
0x98: {  	v8 =	vadd.f32 v16, v6;
	v2 =	vld [tilespmem:s9+$0xC880];
	v7 =	vadd.f32 v10, v7  }
0x99: {  	v6 =	vadd.f32 v0, v4;
	v9 =	vadd.f32 v1, v5;
	v3 =	vld [tilespmem:s9+$0xC890]  }
.Ltmp4:
0x9a: {  	v8 =	vadd.f32 v11, v8;
	v4 =	vld [tilespmem:s9+$0xC840];
	v7 =	vadd.f32 v12, v7;
	(pc) =	sbr.rel @p1 .LBB2_7-.Ltmp4, $4  }
0x9b: {  	v5 =	vld [tilespmem:s9+$0xC850];
	v0 =	vmov v13  }
0x9c: {  	v10 =	vld [tilespmem:s9+$0xC800];
	v1 =	vmov v14  }
0x9d: {  	v12 =	vld [tilespmem:s9+$0xC810]  }
0x9e: {  	s11 =	sadd.s32 $0x400, s11;
	v11 =	vld [tilespmem:s9+$0xC820]  }
0x9f: {  	v13 =	vld [tilespmem:s9+$0xC830]  }
0xa0: {  	v14 =	vld [tilespmem:s9+$0xC860]  }
0xa1: {  	v15 =	vld [tilespmem:s9+$0xC870];
	v6 =	vadd.f32 v10, v6  }
0xa2: {  	v10 =	vld [tilespmem:s9+$0xC8A0];
	v9 =	vadd.f32 v12, v9  }
0xa3: {  	v12 =	vld [tilespmem:s9+$0xC8B0];
	v8 =	vadd.f32 v11, v8;
	v4 =	vadd.f32 v4, v6  }
0xa4: {  	v6 =	vadd.f32 v13, v7;
	v7 =	vld [tilespmem:s9+$0xC8E0];
	v5 =	vadd.f32 v5, v9  }
0xa5: {  	v9 =	vld [tilespmem:s9+$0xC8F0];
	v8 =	vadd.f32 v14, v8;
	v2 =	vadd.f32 v2, v4  }
0xa6: {  	v4 =	vadd.f32 v15, v6;
	v3 =	vadd.f32 v3, v5  }
0xa7: {  	v5 =	vadd.f32 v10, v8;
	v0 =	vadd.f32 v0, v2  }
0xa8: {  	v2 =	vadd.f32 v12, v4;
	v1 =	vadd.f32 v1, v3  }
0xa9: {  	v3 =	vadd.f32 v7, v5;
	[tilespmem:s1+$0x12C80] =	vst v0  }
0xaa: {  	v0 =	vadd.f32 v9, v2;
	[tilespmem:s1+$0x12C90] =	vst v1  }
0xab: {  	[tilespmem:s1+$0x12CA0] =	vst v3  }
0xac: {  	s11 =	simm.s32 @!p0 $0x80;
	s12 =	simm.s32 @!p0 $0xC800;
	s9 =	sadd.s32 @!p0 $0x4B0, s0;
	[tilespmem:s1+$0x12CB0] =	vst v0  }
0xad: {  	[tilespmem:s12], [sflag:$0x3] =	stream.indirect.gather @!p0 [hbm4b:s3+s11], $0x40, s9, s11, $0xb8;
	[tilespmem:$0x14C00] =	vst v63  }
0xae: {  	s0 =	sadd.s32 @!p0 $0x530, s0;
	s9 =	simm.s32 @!p0 $0x48;
	s11 =	simm.s32 @!p0 $0xE800  }
0xaf: {  	[tilespmem:s11], [sflag:$0x3] =	stream.indirect.gather @!p0 [hbm4b:s3+s9], $0x40, s0, s9, $0xb8;
	[tilespmem:$0x14C00] =	vst v63  }
0xb0: {  	_ =	swait.ge [sflag:s28], $0x3200  }
0xb1: {  	[sflag:s28] =	ssyncset.done $0x0  }
0xb2: {  	s0 =	simm.s32 $0x0;
	[sflag:s28] =	ssyncadd.s32 $0xFFFFCE00  }
0xb3: {  	v0 =	vld [tilespmem:s0+$0xFAC0]  }
0xb4: {  	v1 =	vld [tilespmem:s0+$0xFAD0]  }
0xb5: {  	v2 =	vld [tilespmem:s0+$0xFA80]  }
0xb6: {  	v3 =	vld [tilespmem:s0+$0xFA90]  }
0xb7: {  	v4 =	vld [tilespmem:s0+$0xFA40]  }
0xb8: {  	v5 =	vld [tilespmem:s0+$0xFA50]  }
0xb9: {  	v10 =	vld [tilespmem:s0+$0xFA00]  }
0xba: {  	v6 =	vimm.f32 $0.0e+00;
	v12 =	vld [tilespmem:s0+$0xFA10]  }
0xbb: {  	v8 =	vimm.f32 $0.0e+00;
	v7 =	vimm.f32 $0.0e+00;
	v9 =	vimm.f32 $0.0e+00;
	s9 =	simm.s32 $0x400;
	v11 =	vld [tilespmem:s0+$0xFA20]  }
.LBB2_9:
0xbc: {  	p1 =	sne.s32 s9, $0xC400;
	v13 =	vld [tilespmem:s0+$0xFA30]  }
0xbd: {  	v14 =	vld [tilespmem:s0+$0xFA60]  }
0xbe: {  	v15 =	vld [tilespmem:s0+$0xFA70]  }
0xbf: {  	v16 =	vld [tilespmem:s0+$0xFAA0]  }
0xc0: {  	v6 =	vadd.f32 v10, v6;
	v9 =	vadd.f32 v12, v9;
	v10 =	vld [tilespmem:s0+$0xFAB0]  }
0xc1: {  	v8 =	vadd.f32 v11, v8;
	v7 =	vadd.f32 v13, v7;
	v11 =	vld [tilespmem:s0+$0xFAE0]  }
0xc2: {  	v4 =	vadd.f32 v4, v6;
	v5 =	vadd.f32 v5, v9;
	v12 =	vld [tilespmem:s0+$0xFAF0];
	s0 =	sshra.s32 s9, $0x2  }
0xc3: {  	v6 =	vadd.f32 v14, v8;
	v13 =	vld [tilespmem:s0+$0xFAC0];
	v7 =	vadd.f32 v15, v7  }
0xc4: {  	v4 =	vadd.f32 v2, v4;
	v5 =	vadd.f32 v3, v5;
	v14 =	vld [tilespmem:s0+$0xFAD0]  }
0xc5: {  	v8 =	vadd.f32 v16, v6;
	v2 =	vld [tilespmem:s0+$0xFA80];
	v7 =	vadd.f32 v10, v7  }
0xc6: {  	v6 =	vadd.f32 v0, v4;
	v9 =	vadd.f32 v1, v5;
	v3 =	vld [tilespmem:s0+$0xFA90]  }
.Ltmp5:
0xc7: {  	v8 =	vadd.f32 v11, v8;
	v4 =	vld [tilespmem:s0+$0xFA40];
	v7 =	vadd.f32 v12, v7;
	(pc) =	sbr.rel @p1 .LBB2_9-.Ltmp5, $4  }
0xc8: {  	v5 =	vld [tilespmem:s0+$0xFA50];
	v0 =	vmov v13  }
0xc9: {  	v10 =	vld [tilespmem:s0+$0xFA00];
	v1 =	vmov v14  }
0xca: {  	v12 =	vld [tilespmem:s0+$0xFA10]  }
0xcb: {  	s9 =	sadd.s32 $0x400, s9;
	v11 =	vld [tilespmem:s0+$0xFA20]  }
0xcc: {  	v13 =	vld [tilespmem:s0+$0xFA30]  }
0xcd: {  	v14 =	vld [tilespmem:s0+$0xFA60]  }
0xce: {  	v15 =	vld [tilespmem:s0+$0xFA70];
	v6 =	vadd.f32 v10, v6  }
0xcf: {  	v54 =	vld [tilespmem:s0+$0xFAA0];
	v9 =	vadd.f32 v12, v9  }
0xd0: {  	v55 =	vld [tilespmem:s0+$0xFAB0];
	v8 =	vadd.f32 v11, v8;
	v4 =	vadd.f32 v4, v6  }
0xd1: {  	v57 =	vld [tilespmem:s0+$0xFAE0];
	v56 =	vadd.f32 v13, v7;
	v5 =	vadd.f32 v5, v9  }
0xd2: {  	v58 =	vld [tilespmem:s0+$0xFAF0];
	v8 =	vadd.f32 v14, v8;
	v2 =	vadd.f32 v2, v4  }
0xd3: {  	v59 =	vadd.f32 v15, v56;
	v3 =	vadd.f32 v3, v5  }
0xd4: {  	v60 =	vadd.f32 v54, v8;
	v0 =	vadd.f32 v0, v2  }
.Ltmp6:
0xd5: {  	v61 =	vadd.f32 v55, v59;
	v1 =	vadd.f32 v1, v3;
	(pc) =	sbr.rel @p0 .LBB2_12-.Ltmp6, $4  }
0xd6: {  	v62 =	vadd.f32 v57, v60;
	[tilespmem:s1+$0x12CC0] =	vst v0  }
0xd7: {  	v63 =	vadd.f32 v58, v61;
	[tilespmem:s1+$0x12CD0] =	vst v1  }
0xd8: {  	[tilespmem:s1+$0x12CE0] =	vst v62  }
0xd9: {  	[tilespmem:s1+$0x12CF0] =	vst v63  }
0xda: {  	s0 =	smul.u32 $0xC80, s31;
	_ =	sdelay $0x1  }
.Ltmp7:
0xdb: {  	s0 =	sshra.s32 s0, $0x2;
	(pc) =	sbr.rel .LBB2_2-.Ltmp7, $4  }
0xdc: {  	s1 =	sadd.s32 $0x578, s0  }
0xdd: {  	[tilespmem:s21], [sflag:$0x4] =	stream.indirect.gather [hbm4b:s3+s8], $0x40, s1, s8, $0xb8;
	[tilespmem:$0x14C00] =	vst v63  }
0xde: {  	s31 =	sadd.s32 $0x1, s31;
	s0 =	sadd.s32 $0x5F8, s0  }
0xdf: {  	[tilespmem:s23], [sflag:$0x4] =	stream.indirect.gather [hbm4b:s3+s10], $0x40, s0, s10, $0xb8;
	[tilespmem:$0x14C00] =	vst v63  }
.LBB2_13:
0xe0: {  	_ =	sfence.sel $0x180000  }
0xe1: {  	[bflag:$0x0] =	sbarrier.arrive $0xFFFF  }
0xe2: {  	_ =	strace $0x90000047  }
0xe3: {  	s0 =	stileid.u32;
	[bflag:$0x2] =	sbarrier.arrive $0xFFFF  }
0xe4: {  	p0 =	sne.s32 s0, $0x0;
	s0 =	rddreg [dreg:$0x2]  }
0xe5: {  	s0 =	sadd.s32 @!p0 $0x100000, s0  }
0xe6: {  	[sflag:s0] =	ssyncadd.tile.s32 @!p0 $0x1;
	_ =	shalt  }
.Lfunc_end2:
_tile_overlayer_lowered:
.L_overlay_start_2:
0xe7: {  	(tag) =	ssettag $0x2  }
0xe8: {  	s0 =	rddreg [dreg:$0x0];
	s2 =	stileid.u32  }
0xe9: {  	s1 =	rddreg [dreg:$0x1];
	p0 =	sne.s32 s2, $0x0  }
0xea: {  	s3 =	rddreg [dreg:$0x2];
	[bflag:$0x3] =	sbarrier.arrive $0xFFFF;
	s2 =	simm.s32 @!p0 $0x1C05  }
0xeb: {  	[timem:s3], [sflag:s2] =	dma.local @!p0 [hbm:s0], s1  }
0xec: {  	s0 =	simm.s32 @!p0 $0x5  }
0xed: {  	_ =	swait.ge @!p0 [sflag:s0], s1  }
0xee: {  	s1 =	ssub.s32 @!p0 $0x0, s1;
	[sflag:s0] =	ssyncset.done @!p0 $0x0  }
0xef: {  	[sflag:s0] =	ssyncadd.s32 @!p0 s1  }
0xf0: {  	[bflag:$0x3] =	sbarrier.arrive $0xFFFF  }
0xf1: {  	_ =	shalt  }

</sc_bundles>
